<compile_context>
chip_gen: v7x
topology: tpu7x:2x2x1
jax: 0.10.2.dev20260603
libtpu: 0.0.44.dev20260713+nightly
codegen_flags: <defaults>
</compile_context>

<pallas_src>
import jax
import jax.numpy as jnp
from jax.experimental import pallas as pl

_N = 10000
_D = 64
_K = 32
_ALPHA = 3.0
_NP = 10240
_R = 200
_NB = _N // _R


def _mlp_body(e1_ref, e2_ref, w1_ref, b1_ref, w2_ref, b2_ref, n1_ref, n2_ref):
    dn = (((1,), (1,)), ((), ()))
    h1 = jax.lax.dot_general(e1_ref[...], w1_ref[...], dn)
    h2 = jax.lax.dot_general(e2_ref[...], w2_ref[...], dn)
    n1_ref[...] = jnp.tanh(_ALPHA * (h1 + b1_ref[...]))
    n2_ref[...] = jnp.tanh(_ALPHA * (h2 + b2_ref[...]))


def _count16(mask16):
    s = mask16
    w = s.shape[1]
    while w > 128 and (w // 2) % 128 == 0:
        s = s[:, :w // 2] + s[:, w // 2:]
        w //= 2
    t = s[:, :128]
    for i in range(1, w // 128):
        t = t + s[:, i * 128:(i + 1) * 128]
    return jnp.sum(t.astype(jnp.int32), axis=1, keepdims=True)


def _adj_body(x1_ref, x2_ref, n1_ref, n2_ref, out_ref):
    dn = (((1,), (1,)), ((), ()))
    a = (jax.lax.dot_general(x1_ref[...], n2_ref[...], dn)
         - jax.lax.dot_general(x2_ref[...], n1_ref[...], dn))
    act = jnp.maximum(jnp.tanh(_ALPHA * a), 0.0)
    vi = jax.lax.bitcast_convert_type(act, jnp.int32)

    m = vi
    w = _NP
    while w > 128 and (w // 2) % 128 == 0:
        m = jnp.maximum(m[:, :w // 2], m[:, w // 2:])
        w //= 2
    gi = m[:, :128]
    for i in range(1, w // 128):
        gi = jnp.maximum(gi, m[:, i * 128:(i + 1) * 128])

    gmax = jnp.max(gi, axis=1, keepdims=True)

    def gstep(_, carry):
        lo, hi = carry
        mid = lo + jax.lax.div(hi - lo, 2)
        cnt = jnp.sum((gi > mid).astype(jnp.int32), axis=1, keepdims=True)
        ge = cnt >= _K
        return jnp.where(ge, mid, lo), jnp.where(ge, hi, mid)

    ming = jnp.maximum(jnp.min(gi, axis=1, keepdims=True), -1)
    gcarry = (ming - 1, gmax)
    for _ in range(15):
        gcarry = gstep(None, gcarry)
    lb0, _ = gcarry
    lb = lb0 + 1

    base = lb - 1
    v16 = jnp.clip(vi - base, 0, 2047).astype(jnp.int16)
    hi16 = jnp.clip(gmax - base, 0, 2047)

    def vstep16(carry):
        lo, hi, nhi = carry
        mid = lo + jax.lax.div(hi - lo, 2)
        cnt = _count16(jnp.where(v16 > mid.astype(jnp.int16),
                                 jnp.int16(1), jnp.int16(0)))
        ge = cnt >= _K
        return (jnp.where(ge, mid, lo),
                jnp.where(ge, hi, mid),
                jnp.where(ge, nhi, cnt))

    vcarry = (jnp.zeros_like(hi16), hi16, jnp.zeros((_R, 1), jnp.int32))
    for _ in range(11):
        vcarry = vstep16(vcarry)
    _, thr16, ngt16 = vcarry

    sat = thr16 == 2047
    thr0 = base + thr16
    lo0 = jnp.where(sat, base + 2046, thr0 - 1)
    hiv0 = jnp.where(sat, gmax, thr0)
    nhi0 = jnp.where(sat, 0, ngt16)

    def vcond(carry):
        lo, hi, _ = carry
        return jnp.any(hi - lo > 1)

    def vstep(carry):
        lo, hi, nhi = carry
        mid = lo + jax.lax.div(hi - lo, 2)
        cnt = jnp.sum((vi > mid).astype(jnp.int32), axis=1, keepdims=True)
        ge = cnt >= _K
        return (jnp.where(ge, mid, lo),
                jnp.where(ge, hi, mid),
                jnp.where(ge, nhi, cnt))

    _, thr, ngt = jax.lax.while_loop(vcond, vstep, (lo0, hiv0, nhi0))

    need = _K - ngt
    eq = vi == thr
    eq16 = (jnp.clip(vi - thr + 1, 0, 1)
            - jnp.clip(vi - thr, 0, 1)).astype(jnp.int16)
    cols16 = jax.lax.broadcasted_iota(jnp.int16, (_R, _NP), 1)

    nchk = _NP // 128
    ef = eq.astype(jnp.float32)
    bc = jax.lax.broadcasted_iota(jnp.int32, (_NP, nchk), 0)
    bq = jax.lax.broadcasted_iota(jnp.int32, (_NP, nchk), 1)
    band = (jax.lax.div(bc, 128) == bq).astype(jnp.float32)
    cch = jax.lax.dot_general(ef, band, (((1,), (0,)), ((), ())))
    qiota = jax.lax.broadcasted_iota(jnp.int32, (_R, nchk), 1)
    needf = need.astype(jnp.float32)

    def qstep(_, carry):
        lo_q, hi_q = carry
        mid = lo_q + jax.lax.div(hi_q - lo_q, 2)
        cnt = jnp.sum(jnp.where(qiota < mid, cch, 0.0), axis=1,
                      keepdims=True)
        ge = cnt >= needf
        return jnp.where(ge, lo_q, mid), jnp.where(ge, mid, hi_q)

    nqb = max(1, (nchk - 1).bit_length()) + 1
    qcarry = (jnp.zeros_like(gmax), jnp.full_like(gmax, nchk))
    for _ in range(nqb):
        qcarry = qstep(None, qcarry)
    _, qstar = qcarry
    ccut = qstar - 1

    def cstep(_, carry):
        lo_c, hi_c = carry
        mid = lo_c + jax.lax.div(hi_c - lo_c, 2)
        cnt = _count16(jnp.where(cols16 < mid.astype(jnp.int16),
                                 eq16, jnp.int16(0)))
        ge = cnt >= need
        return jnp.where(ge, lo_c, mid), jnp.where(ge, mid, hi_c)

    ccarry = (ccut * 128, ccut * 128 + 128)
    for _ in range(7):
        ccarry = cstep(None, ccarry)
    _, cut = ccarry

    cols = jax.lax.broadcasted_iota(jnp.int32, (_R, _NP), 1)
    keep = (vi > thr) | (eq & (cols < cut))
    out_ref[...] = jnp.where(keep, act, 0.0)[:, :_N]


def kernel(idx, emb1, emb2, W1, b1, W2, b2):
    e1 = jnp.take(emb1, idx, axis=0)
    e2 = jnp.take(emb2, idx, axis=0)
    pad = ((0, _NP - _N), (0, 0))
    e1p = jnp.pad(e1, pad)
    e2p = jnp.pad(e2, pad)
    nv_shape = jax.ShapeDtypeStruct((_NP, _D), jnp.float32)
    n1p, n2p = pl.pallas_call(
        _mlp_body,
        out_shape=[nv_shape, nv_shape],
    )(e1p, e2p, W1, b1.reshape(1, _D), W2, b2.reshape(1, _D))

    row_spec = pl.BlockSpec((_R, _D), lambda i: (i, 0))
    full_spec = pl.BlockSpec((_NP, _D), lambda i: (0, 0))
    adj = pl.pallas_call(
        _adj_body,
        grid=(_NB,),
        in_specs=[row_spec, row_spec, full_spec, full_spec],
        out_specs=pl.BlockSpec((_R, _N), lambda i: (i, 0)),
        out_shape=jax.ShapeDtypeStruct((_N, _N), jnp.float32),
    )(n1p, n2p, n1p, n2p)
    return adj

# --- scband reference (transcript-rebuilt; emitter-appended) ---
"""Pipeline reference for scband-graph-constructor-61564061221147 (READ-ONLY COPY).

The authoritative reference and input builder live on the scoring server;
editing this copy changes nothing except your own understanding.
"""

import jax, jax.numpy as jnp
import numpy as np

N = 10000
DIM = 64
K = 32
ALPHA = 3.0


def setup_inputs(seed: int = 0) -> dict:
    key = jax.random.key(seed)
    k0, k1, k2, k3 = jax.random.split(key, 4)
    idx = jnp.arange(N, dtype=jnp.int32)
    emb1 = jax.random.normal(k0, (N, DIM), dtype=jnp.float32) * 0.1
    emb2 = jax.random.normal(k1, (N, DIM), dtype=jnp.float32) * 0.1
    # BayesLinear posterior means used as deterministic weights (mu), bias mu = 0
    W1 = jax.random.normal(k2, (DIM, DIM), dtype=jnp.float32) / np.sqrt(DIM)
    b1 = jnp.zeros((DIM,), dtype=jnp.float32)
    W2 = jax.random.normal(k3, (DIM, DIM), dtype=jnp.float32) / np.sqrt(DIM)
    b2 = jnp.zeros((DIM,), dtype=jnp.float32)
    return {"idx": idx, "emb1": emb1, "emb2": emb2, "W1": W1, "b1": b1, "W2": W2, "b2": b2}


def reference(idx, emb1, emb2, W1, b1, W2, b2):
    # embedding lookups (gather)
    nodevec1 = jnp.take(emb1, idx, axis=0)
    nodevec2 = jnp.take(emb2, idx, axis=0)
    # Bayesian linear layers (deterministic mu weights) + tanh(alpha * .)
    nodevec1 = jnp.tanh(ALPHA * (nodevec1 @ W1.T + b1))
    nodevec2 = jnp.tanh(ALPHA * (nodevec2 @ W2.T + b2))
    # antisymmetric similarity -> adjacency
    a = nodevec1 @ nodevec2.T - nodevec2 @ nodevec1.T
    adj = jax.nn.relu(jnp.tanh(ALPHA * a))
    # per-row top-k sparsification: scatter 1s into a zero mask
    n = idx.shape[0]
    _, t1 = jax.lax.top_k(adj, K)
    rows = jnp.arange(n, dtype=t1.dtype)[:, None]
    mask = jnp.zeros((n, n), dtype=adj.dtype).at[rows, t1].set(1.0)
    adj = adj * mask
    return adj

if __name__ == "__main__":
    import jax
    _d = setup_inputs()
    print(jax.jit(kernel)(*tuple(_d.values())))

</pallas_src>

<mosaic_0001>
module attributes {stable_mosaic.version = 14 : i64} {
  func.func @_mlp_body(%arg0: memref<10240x64xf32, #tpu.memory_space<vmem>>, %arg1: memref<10240x64xf32, #tpu.memory_space<vmem>>, %arg2: memref<64x64xf32, #tpu.memory_space<vmem>>, %arg3: memref<1x64xf32, #tpu.memory_space<vmem>>, %arg4: memref<64x64xf32, #tpu.memory_space<vmem>>, %arg5: memref<1x64xf32, #tpu.memory_space<vmem>>, %arg6: memref<10240x64xf32, #tpu.memory_space<vmem>>, %arg7: memref<10240x64xf32, #tpu.memory_space<vmem>>) attributes {dimension_semantics = [], scalar_prefetch = 0 : i64, scratch_operands = 0 : i64, tpu.core_type = #tpu.core_type<tc>} {
    %get3A = arith.constant 0 : index
    %get3A_0 = arith.constant 0 : index
    %get3A_1 = vector.load %arg0[%get3A, %get3A_0] : memref<10240x64xf32, #tpu.memory_space<vmem>>, vector<10240x64xf32>
    %get3A_2 = arith.constant 0 : index
    %get3A_3 = arith.constant 0 : index
    %get3A_4 = vector.load %arg2[%get3A_2, %get3A_3] : memref<64x64xf32, #tpu.memory_space<vmem>>, vector<64x64xf32>
    %dot_general3A = arith.constant dense<0.000000e+00> : vector<10240x64xf32>
    %dot_general3A_5 = tpu.matmul %get3A_1, %get3A_4, %dot_general3A {dimension_numbers = #tpu.dot_dimension_numbers<[1], [1], [0], [0], [0, 0, 1, 0], [], []>, transpose_lhs_hint = false} : vector<10240x64xf32>, vector<64x64xf32>, vector<10240x64xf32> -> vector<10240x64xf32>
    %get3A_6 = arith.constant 0 : index
    %get3A_7 = arith.constant 0 : index
    %get3A_8 = vector.load %arg1[%get3A_6, %get3A_7] : memref<10240x64xf32, #tpu.memory_space<vmem>>, vector<10240x64xf32>
    %get3A_9 = arith.constant 0 : index
    %get3A_10 = arith.constant 0 : index
    %get3A_11 = vector.load %arg4[%get3A_9, %get3A_10] : memref<64x64xf32, #tpu.memory_space<vmem>>, vector<64x64xf32>
    %dot_general3A_12 = arith.constant dense<0.000000e+00> : vector<10240x64xf32>
    %dot_general3A_13 = tpu.matmul %get3A_8, %get3A_11, %dot_general3A_12 {dimension_numbers = #tpu.dot_dimension_numbers<[1], [1], [0], [0], [0, 0, 1, 0], [], []>, transpose_lhs_hint = false} : vector<10240x64xf32>, vector<64x64xf32>, vector<10240x64xf32> -> vector<10240x64xf32>
    %get3A_14 = arith.constant 0 : index
    %get3A_15 = arith.constant 0 : index
    %get3A_16 = vector.load %arg3[%get3A_14, %get3A_15] : memref<1x64xf32, #tpu.memory_space<vmem>>, vector<1x64xf32>
    %add3A = vector.broadcast %get3A_16 : vector<1x64xf32> to vector<10240x64xf32>
    %add3A_17 = arith.addf %dot_general3A_5, %add3A : vector<10240x64xf32>
    %mul3A = arith.constant 3.000000e+00 : f32
    %mul3A_18 = vector.broadcast %mul3A : f32 to vector<10240x64xf32>
    %mul3A_19 = arith.mulf %mul3A_18, %add3A_17 : vector<10240x64xf32>
    %tanh3A = math.tanh %mul3A_19 : vector<10240x64xf32>
    %swap3A = arith.constant 0 : index
    %swap3A_20 = arith.constant 0 : index
    %swap3A_21 = vector.load %arg6[%swap3A, %swap3A_20] : memref<10240x64xf32, #tpu.memory_space<vmem>>, vector<10240x64xf32>
    tpu.vector_store %arg6[%swap3A, %swap3A_20], %tanh3A {strides = array<i32>} : memref<10240x64xf32, #tpu.memory_space<vmem>>, vector<10240x64xf32>,
    %get3A_22 = arith.constant 0 : index
    %get3A_23 = arith.constant 0 : index
    %get3A_24 = vector.load %arg5[%get3A_22, %get3A_23] : memref<1x64xf32, #tpu.memory_space<vmem>>, vector<1x64xf32>
    %add3A_25 = vector.broadcast %get3A_24 : vector<1x64xf32> to vector<10240x64xf32>
    %add3A_26 = arith.addf %dot_general3A_13, %add3A_25 : vector<10240x64xf32>
    %mul3A_27 = arith.constant 3.000000e+00 : f32
    %mul3A_28 = vector.broadcast %mul3A_27 : f32 to vector<10240x64xf32>
    %mul3A_29 = arith.mulf %mul3A_28, %add3A_26 : vector<10240x64xf32>
    %tanh3A_30 = math.tanh %mul3A_29 : vector<10240x64xf32>
    %swap3A_31 = arith.constant 0 : index
    %swap3A_32 = arith.constant 0 : index
    %swap3A_33 = vector.load %arg7[%swap3A_31, %swap3A_32] : memref<10240x64xf32, #tpu.memory_space<vmem>>, vector<10240x64xf32>
    tpu.vector_store %arg7[%swap3A_31, %swap3A_32], %tanh3A_30 {strides = array<i32>} : memref<10240x64xf32, #tpu.memory_space<vmem>>, vector<10240x64xf32>,
    return
  }
}

module attributes {stable_mosaic.version = 14 : i64} {
  func.func @_adj_body(%arg0: i32, %arg1: memref<200x64xf32, #tpu.memory_space<vmem>>, %arg2: memref<200x64xf32, #tpu.memory_space<vmem>>, %arg3: memref<10240x64xf32, #tpu.memory_space<vmem>>, %arg4: memref<10240x64xf32, #tpu.memory_space<vmem>>, %arg5: memref<200x10000xf32, #tpu.memory_space<vmem>>) attributes {dimension_semantics = [#tpu.dimension_semantics<arbitrary>], iteration_bounds = array<i64: 50>, scalar_prefetch = 0 : i64, scratch_operands = 0 : i64, tpu.core_type = #tpu.core_type<tc>, window_params = [{transform_indices = @transform_0, window_bounds = array<i64: 200, 64>}, {transform_indices = @transform_1, window_bounds = array<i64: 200, 64>}, {pipeline_mode = #tpu.pipeline_mode<synchronous>, transform_indices = @transform_2, window_bounds = array<i64: 10240, 64>}, {pipeline_mode = #tpu.pipeline_mode<synchronous>, transform_indices = @transform_3, window_bounds = array<i64: 10240, 64>}, {transform_indices = @transform_4, window_bounds = array<i64: 200, 10000>}]} {
    %get3A = arith.constant 0 : index
    %get3A_0 = arith.constant 0 : index
    %get3A_1 = vector.load %arg1[%get3A, %get3A_0] : memref<200x64xf32, #tpu.memory_space<vmem>>, vector<200x64xf32>
    %get3A_2 = arith.constant 0 : index
    %get3A_3 = arith.constant 0 : index
    %get3A_4 = vector.load %arg4[%get3A_2, %get3A_3] : memref<10240x64xf32, #tpu.memory_space<vmem>>, vector<10240x64xf32>
    %dot_general3A = arith.constant dense<0.000000e+00> : vector<200x10240xf32>
    %dot_general3A_5 = tpu.matmul %get3A_1, %get3A_4, %dot_general3A {dimension_numbers = #tpu.dot_dimension_numbers<[1], [1], [0], [0], [0, 0, 1, 0], [], []>, transpose_lhs_hint = false} : vector<200x64xf32>, vector<10240x64xf32>, vector<200x10240xf32> -> vector<200x10240xf32>
    %get3A_6 = arith.constant 0 : index
    %get3A_7 = arith.constant 0 : index
    %get3A_8 = vector.load %arg2[%get3A_6, %get3A_7] : memref<200x64xf32, #tpu.memory_space<vmem>>, vector<200x64xf32>
    %get3A_9 = arith.constant 0 : index
    %get3A_10 = arith.constant 0 : index
    %get3A_11 = vector.load %arg3[%get3A_9, %get3A_10] : memref<10240x64xf32, #tpu.memory_space<vmem>>, vector<10240x64xf32>
    %dot_general3A_12 = arith.constant dense<0.000000e+00> : vector<200x10240xf32>
    %dot_general3A_13 = tpu.matmul %get3A_8, %get3A_11, %dot_general3A_12 {dimension_numbers = #tpu.dot_dimension_numbers<[1], [1], [0], [0], [0, 0, 1, 0], [], []>, transpose_lhs_hint = false} : vector<200x64xf32>, vector<10240x64xf32>, vector<200x10240xf32> -> vector<200x10240xf32>
    %sub3A = arith.subf %dot_general3A_5, %dot_general3A_13 : vector<200x10240xf32>
    %mul3A = arith.constant 3.000000e+00 : f32
    %mul3A_14 = vector.broadcast %mul3A : f32 to vector<200x10240xf32>
    %mul3A_15 = arith.mulf %mul3A_14, %sub3A : vector<200x10240xf32>
    %tanh3A = math.tanh %mul3A_15 : vector<200x10240xf32>
    %max3A = arith.constant 0.000000e+00 : f32
    %max3A_16 = vector.broadcast %max3A : f32 to vector<200x10240xf32>
    %max3A_17 = arith.maximumf %tanh3A, %max3A_16 : vector<200x10240xf32>
    %bitcast_convert_type3A = tpu.bitcast %max3A_17 : vector<200x10240xf32> -> vector<200x10240xi32>
    %slice3A = vector.extract_strided_slice %bitcast_convert_type3A {offsets = [0, 0], sizes = [200, 5120], strides = [1, 1]} : vector<200x10240xi32> to vector<200x5120xi32>
    %slice3A_18 = vector.extract_strided_slice %bitcast_convert_type3A {offsets = [0, 5120], sizes = [200, 5120], strides = [1, 1]} : vector<200x10240xi32> to vector<200x5120xi32>
    %max3A_19 = arith.maxsi %slice3A, %slice3A_18 : vector<200x5120xi32>
    %slice3A_20 = vector.extract_strided_slice %max3A_19 {offsets = [0, 0], sizes = [200, 2560], strides = [1, 1]} : vector<200x5120xi32> to vector<200x2560xi32>
    %slice3A_21 = vector.extract_strided_slice %max3A_19 {offsets = [0, 2560], sizes = [200, 2560], strides = [1, 1]} : vector<200x5120xi32> to vector<200x2560xi32>
    %max3A_22 = arith.maxsi %slice3A_20, %slice3A_21 : vector<200x2560xi32>
    %slice3A_23 = vector.extract_strided_slice %max3A_22 {offsets = [0, 0], sizes = [200, 1280], strides = [1, 1]} : vector<200x2560xi32> to vector<200x1280xi32>
    %slice3A_24 = vector.extract_strided_slice %max3A_22 {offsets = [0, 1280], sizes = [200, 1280], strides = [1, 1]} : vector<200x2560xi32> to vector<200x1280xi32>
    %max3A_25 = arith.maxsi %slice3A_23, %slice3A_24 : vector<200x1280xi32>
    %slice3A_26 = vector.extract_strided_slice %max3A_25 {offsets = [0, 0], sizes = [200, 640], strides = [1, 1]} : vector<200x1280xi32> to vector<200x640xi32>
    %slice3A_27 = vector.extract_strided_slice %max3A_25 {offsets = [0, 640], sizes = [200, 640], strides = [1, 1]} : vector<200x1280xi32> to vector<200x640xi32>
    %max3A_28 = arith.maxsi %slice3A_26, %slice3A_27 : vector<200x640xi32>
    %slice3A_29 = vector.extract_strided_slice %max3A_28 {offsets = [0, 0], sizes = [200, 128], strides = [1, 1]} : vector<200x640xi32> to vector<200x128xi32>
    %slice3A_30 = vector.extract_strided_slice %max3A_28 {offsets = [0, 128], sizes = [200, 128], strides = [1, 1]} : vector<200x640xi32> to vector<200x128xi32>
    %max3A_31 = arith.maxsi %slice3A_29, %slice3A_30 : vector<200x128xi32>
    %slice3A_32 = vector.extract_strided_slice %max3A_28 {offsets = [0, 256], sizes = [200, 128], strides = [1, 1]} : vector<200x640xi32> to vector<200x128xi32>
    %max3A_33 = arith.maxsi %max3A_31, %slice3A_32 : vector<200x128xi32>
    %slice3A_34 = vector.extract_strided_slice %max3A_28 {offsets = [0, 384], sizes = [200, 128], strides = [1, 1]} : vector<200x640xi32> to vector<200x128xi32>
    %max3A_35 = arith.maxsi %max3A_33, %slice3A_34 : vector<200x128xi32>
    %slice3A_36 = vector.extract_strided_slice %max3A_28 {offsets = [0, 512], sizes = [200, 128], strides = [1, 1]} : vector<200x640xi32> to vector<200x128xi32>
    %max3A_37 = arith.maxsi %max3A_35, %slice3A_36 : vector<200x128xi32>
    %reduce_max3A = arith.constant dense<-2147483648> : vector<200xi32>
    %reduce_max3A_38 = vector.multi_reduction <maxsi>, %max3A_37, %reduce_max3A [1] : vector<200x128xi32> to vector<200xi32>
    %broadcast_in_dim3A = vector.shape_cast %reduce_max3A_38 : vector<200xi32> to vector<200x1xi32>
    %reduce_min3A = arith.constant dense<2147483647> : vector<200xi32>
    %reduce_min3A_39 = vector.multi_reduction <minsi>, %max3A_37, %reduce_min3A [1] : vector<200x128xi32> to vector<200xi32>
    %broadcast_in_dim3A_40 = vector.shape_cast %reduce_min3A_39 : vector<200xi32> to vector<200x1xi32>
    %max3A_41 = arith.constant -1 : i32
    %max3A_42 = vector.broadcast %max3A_41 : i32 to vector<200x1xi32>
    %max3A_43 = arith.maxsi %broadcast_in_dim3A_40, %max3A_42 : vector<200x1xi32>
    %sub3A_44 = arith.constant 1 : i32
    %sub3A_45 = vector.broadcast %sub3A_44 : i32 to vector<200x1xi32>
    %sub3A_46 = arith.subi %max3A_43, %sub3A_45 : vector<200x1xi32>
    %sub3A_47 = arith.subi %broadcast_in_dim3A, %sub3A_46 : vector<200x1xi32>
    %div3A = arith.constant 2 : i32
    %div3A_48 = vector.broadcast %div3A : i32 to vector<200x1xi32>
    %div3A_49 = arith.divsi %sub3A_47, %div3A_48 : vector<200x1xi32>
    %add3A = arith.addi %sub3A_46, %div3A_49 : vector<200x1xi32>
    %gt3A = vector.broadcast %add3A : vector<200x1xi32> to vector<200x128xi32>
    %gt3A_50 = arith.cmpi sgt, %max3A_37, %gt3A : vector<200x128xi32>
    %convert_element_type3A = arith.extui %gt3A_50 : vector<200x128xi1> to vector<200x128xi32>
    %reduce_sum3A = arith.constant dense<0> : vector<200xi32>
    %reduce_sum3A_51 = vector.multi_reduction <add>, %convert_element_type3A, %reduce_sum3A [1] : vector<200x128xi32> to vector<200xi32>
    %broadcast_in_dim3A_52 = vector.shape_cast %reduce_sum3A_51 : vector<200xi32> to vector<200x1xi32>
    %ge3A = arith.constant 32 : i32
    %ge3A_53 = vector.broadcast %ge3A : i32 to vector<200x1xi32>
    %ge3A_54 = arith.cmpi sge, %broadcast_in_dim3A_52, %ge3A_53 : vector<200x1xi32>
    %select_n3A = arith.select %ge3A_54, %add3A, %sub3A_46 : vector<200x1xi1>, vector<200x1xi32>
    %select_n3A_55 = arith.select %ge3A_54, %broadcast_in_dim3A, %add3A : vector<200x1xi1>, vector<200x1xi32>
    %sub3A_56 = arith.subi %select_n3A_55, %select_n3A : vector<200x1xi32>
    %div3A_57 = arith.constant 2 : i32
    %div3A_58 = vector.broadcast %div3A_57 : i32 to vector<200x1xi32>
    %div3A_59 = arith.divsi %sub3A_56, %div3A_58 : vector<200x1xi32>
    %add3A_60 = arith.addi %select_n3A, %div3A_59 : vector<200x1xi32>
    %gt3A_61 = vector.broadcast %add3A_60 : vector<200x1xi32> to vector<200x128xi32>
    %gt3A_62 = arith.cmpi sgt, %max3A_37, %gt3A_61 : vector<200x128xi32>
    %convert_element_type3A_63 = arith.extui %gt3A_62 : vector<200x128xi1> to vector<200x128xi32>
    %reduce_sum3A_64 = arith.constant dense<0> : vector<200xi32>
    %reduce_sum3A_65 = vector.multi_reduction <add>, %convert_element_type3A_63, %reduce_sum3A_64 [1] : vector<200x128xi32> to vector<200xi32>
    %broadcast_in_dim3A_66 = vector.shape_cast %reduce_sum3A_65 : vector<200xi32> to vector<200x1xi32>
    %ge3A_67 = arith.constant 32 : i32
    %ge3A_68 = vector.broadcast %ge3A_67 : i32 to vector<200x1xi32>
    %ge3A_69 = arith.cmpi sge, %broadcast_in_dim3A_66, %ge3A_68 : vector<200x1xi32>
    %select_n3A_70 = arith.select %ge3A_69, %add3A_60, %select_n3A : vector<200x1xi1>, vector<200x1xi32>
    %select_n3A_71 = arith.select %ge3A_69, %select_n3A_55, %add3A_60 : vector<200x1xi1>, vector<200x1xi32>
    %sub3A_72 = arith.subi %select_n3A_71, %select_n3A_70 : vector<200x1xi32>
    %div3A_73 = arith.constant 2 : i32
    %div3A_74 = vector.broadcast %div3A_73 : i32 to vector<200x1xi32>
    %div3A_75 = arith.divsi %sub3A_72, %div3A_74 : vector<200x1xi32>
    %add3A_76 = arith.addi %select_n3A_70, %div3A_75 : vector<200x1xi32>
    %gt3A_77 = vector.broadcast %add3A_76 : vector<200x1xi32> to vector<200x128xi32>
    %gt3A_78 = arith.cmpi sgt, %max3A_37, %gt3A_77 : vector<200x128xi32>
    %convert_element_type3A_79 = arith.extui %gt3A_78 : vector<200x128xi1> to vector<200x128xi32>
    %reduce_sum3A_80 = arith.constant dense<0> : vector<200xi32>
    %reduce_sum3A_81 = vector.multi_reduction <add>, %convert_element_type3A_79, %reduce_sum3A_80 [1] : vector<200x128xi32> to vector<200xi32>
    %broadcast_in_dim3A_82 = vector.shape_cast %reduce_sum3A_81 : vector<200xi32> to vector<200x1xi32>
    %ge3A_83 = arith.constant 32 : i32
    %ge3A_84 = vector.broadcast %ge3A_83 : i32 to vector<200x1xi32>
    %ge3A_85 = arith.cmpi sge, %broadcast_in_dim3A_82, %ge3A_84 : vector<200x1xi32>
    %select_n3A_86 = arith.select %ge3A_85, %add3A_76, %select_n3A_70 : vector<200x1xi1>, vector<200x1xi32>
    %select_n3A_87 = arith.select %ge3A_85, %select_n3A_71, %add3A_76 : vector<200x1xi1>, vector<200x1xi32>
    %sub3A_88 = arith.subi %select_n3A_87, %select_n3A_86 : vector<200x1xi32>
    %div3A_89 = arith.constant 2 : i32
    %div3A_90 = vector.broadcast %div3A_89 : i32 to vector<200x1xi32>
    %div3A_91 = arith.divsi %sub3A_88, %div3A_90 : vector<200x1xi32>
    %add3A_92 = arith.addi %select_n3A_86, %div3A_91 : vector<200x1xi32>
    %gt3A_93 = vector.broadcast %add3A_92 : vector<200x1xi32> to vector<200x128xi32>
    %gt3A_94 = arith.cmpi sgt, %max3A_37, %gt3A_93 : vector<200x128xi32>
    %convert_element_type3A_95 = arith.extui %gt3A_94 : vector<200x128xi1> to vector<200x128xi32>
    %reduce_sum3A_96 = arith.constant dense<0> : vector<200xi32>
    %reduce_sum3A_97 = vector.multi_reduction <add>, %convert_element_type3A_95, %reduce_sum3A_96 [1] : vector<200x128xi32> to vector<200xi32>
    %broadcast_in_dim3A_98 = vector.shape_cast %reduce_sum3A_97 : vector<200xi32> to vector<200x1xi32>
    %ge3A_99 = arith.constant 32 : i32
    %ge3A_100 = vector.broadcast %ge3A_99 : i32 to vector<200x1xi32>
    %ge3A_101 = arith.cmpi sge, %broadcast_in_dim3A_98, %ge3A_100 : vector<200x1xi32>
    %select_n3A_102 = arith.select %ge3A_101, %add3A_92, %select_n3A_86 : vector<200x1xi1>, vector<200x1xi32>
    %select_n3A_103 = arith.select %ge3A_101, %select_n3A_87, %add3A_92 : vector<200x1xi1>, vector<200x1xi32>
    %sub3A_104 = arith.subi %select_n3A_103, %select_n3A_102 : vector<200x1xi32>
    %div3A_105 = arith.constant 2 : i32
    %div3A_106 = vector.broadcast %div3A_105 : i32 to vector<200x1xi32>
    %div3A_107 = arith.divsi %sub3A_104, %div3A_106 : vector<200x1xi32>
    %add3A_108 = arith.addi %select_n3A_102, %div3A_107 : vector<200x1xi32>
    %gt3A_109 = vector.broadcast %add3A_108 : vector<200x1xi32> to vector<200x128xi32>
    %gt3A_110 = arith.cmpi sgt, %max3A_37, %gt3A_109 : vector<200x128xi32>
    %convert_element_type3A_111 = arith.extui %gt3A_110 : vector<200x128xi1> to vector<200x128xi32>
    %reduce_sum3A_112 = arith.constant dense<0> : vector<200xi32>
    %reduce_sum3A_113 = vector.multi_reduction <add>, %convert_element_type3A_111, %reduce_sum3A_112 [1] : vector<200x128xi32> to vector<200xi32>
    %broadcast_in_dim3A_114 = vector.shape_cast %reduce_sum3A_113 : vector<200xi32> to vector<200x1xi32>
    %ge3A_115 = arith.constant 32 : i32
    %ge3A_116 = vector.broadcast %ge3A_115 : i32 to vector<200x1xi32>
    %ge3A_117 = arith.cmpi sge, %broadcast_in_dim3A_114, %ge3A_116 : vector<200x1xi32>
    %select_n3A_118 = arith.select %ge3A_117, %add3A_108, %select_n3A_102 : vector<200x1xi1>, vector<200x1xi32>
    %select_n3A_119 = arith.select %ge3A_117, %select_n3A_103, %add3A_108 : vector<200x1xi1>, vector<200x1xi32>
    %sub3A_120 = arith.subi %select_n3A_119, %select_n3A_118 : vector<200x1xi32>
    %div3A_121 = arith.constant 2 : i32
    %div3A_122 = vector.broadcast %div3A_121 : i32 to vector<200x1xi32>
    %div3A_123 = arith.divsi %sub3A_120, %div3A_122 : vector<200x1xi32>
    %add3A_124 = arith.addi %select_n3A_118, %div3A_123 : vector<200x1xi32>
    %gt3A_125 = vector.broadcast %add3A_124 : vector<200x1xi32> to vector<200x128xi32>
    %gt3A_126 = arith.cmpi sgt, %max3A_37, %gt3A_125 : vector<200x128xi32>
    %convert_element_type3A_127 = arith.extui %gt3A_126 : vector<200x128xi1> to vector<200x128xi32>
    %reduce_sum3A_128 = arith.constant dense<0> : vector<200xi32>
    %reduce_sum3A_129 = vector.multi_reduction <add>, %convert_element_type3A_127, %reduce_sum3A_128 [1] : vector<200x128xi32> to vector<200xi32>
    %broadcast_in_dim3A_130 = vector.shape_cast %reduce_sum3A_129 : vector<200xi32> to vector<200x1xi32>
    %ge3A_131 = arith.constant 32 : i32
    %ge3A_132 = vector.broadcast %ge3A_131 : i32 to vector<200x1xi32>
    %ge3A_133 = arith.cmpi sge, %broadcast_in_dim3A_130, %ge3A_132 : vector<200x1xi32>
    %select_n3A_134 = arith.select %ge3A_133, %add3A_124, %select_n3A_118 : vector<200x1xi1>, vector<200x1xi32>
    %select_n3A_135 = arith.select %ge3A_133, %select_n3A_119, %add3A_124 : vector<200x1xi1>, vector<200x1xi32>
    %sub3A_136 = arith.subi %select_n3A_135, %select_n3A_134 : vector<200x1xi32>
    %div3A_137 = arith.constant 2 : i32
    %div3A_138 = vector.broadcast %div3A_137 : i32 to vector<200x1xi32>
    %div3A_139 = arith.divsi %sub3A_136, %div3A_138 : vector<200x1xi32>
    %add3A_140 = arith.addi %select_n3A_134, %div3A_139 : vector<200x1xi32>
    %gt3A_141 = vector.broadcast %add3A_140 : vector<200x1xi32> to vector<200x128xi32>
    %gt3A_142 = arith.cmpi sgt, %max3A_37, %gt3A_141 : vector<200x128xi32>
    %convert_element_type3A_143 = arith.extui %gt3A_142 : vector<200x128xi1> to vector<200x128xi32>
    %reduce_sum3A_144 = arith.constant dense<0> : vector<200xi32>
    %reduce_sum3A_145 = vector.multi_reduction <add>, %convert_element_type3A_143, %reduce_sum3A_144 [1] : vector<200x128xi32> to vector<200xi32>
    %broadcast_in_dim3A_146 = vector.shape_cast %reduce_sum3A_145 : vector<200xi32> to vector<200x1xi32>
    %ge3A_147 = arith.constant 32 : i32
    %ge3A_148 = vector.broadcast %ge3A_147 : i32 to vector<200x1xi32>
    %ge3A_149 = arith.cmpi sge, %broadcast_in_dim3A_146, %ge3A_148 : vector<200x1xi32>
    %select_n3A_150 = arith.select %ge3A_149, %add3A_140, %select_n3A_134 : vector<200x1xi1>, vector<200x1xi32>
    %select_n3A_151 = arith.select %ge3A_149, %select_n3A_135, %add3A_140 : vector<200x1xi1>, vector<200x1xi32>
    %sub3A_152 = arith.subi %select_n3A_151, %select_n3A_150 : vector<200x1xi32>
    %div3A_153 = arith.constant 2 : i32
    %div3A_154 = vector.broadcast %div3A_153 : i32 to vector<200x1xi32>
    %div3A_155 = arith.divsi %sub3A_152, %div3A_154 : vector<200x1xi32>
    %add3A_156 = arith.addi %select_n3A_150, %div3A_155 : vector<200x1xi32>
    %gt3A_157 = vector.broadcast %add3A_156 : vector<200x1xi32> to vector<200x128xi32>
    %gt3A_158 = arith.cmpi sgt, %max3A_37, %gt3A_157 : vector<200x128xi32>
    %convert_element_type3A_159 = arith.extui %gt3A_158 : vector<200x128xi1> to vector<200x128xi32>
    %reduce_sum3A_160 = arith.constant dense<0> : vector<200xi32>
    %reduce_sum3A_161 = vector.multi_reduction <add>, %convert_element_type3A_159, %reduce_sum3A_160 [1] : vector<200x128xi32> to vector<200xi32>
    %broadcast_in_dim3A_162 = vector.shape_cast %reduce_sum3A_161 : vector<200xi32> to vector<200x1xi32>
    %ge3A_163 = arith.constant 32 : i32
    %ge3A_164 = vector.broadcast %ge3A_163 : i32 to vector<200x1xi32>
    %ge3A_165 = arith.cmpi sge, %broadcast_in_dim3A_162, %ge3A_164 : vector<200x1xi32>
    %select_n3A_166 = arith.select %ge3A_165, %add3A_156, %select_n3A_150 : vector<200x1xi1>, vector<200x1xi32>
    %select_n3A_167 = arith.select %ge3A_165, %select_n3A_151, %add3A_156 : vector<200x1xi1>, vector<200x1xi32>
    %sub3A_168 = arith.subi %select_n3A_167, %select_n3A_166 : vector<200x1xi32>
    %div3A_169 = arith.constant 2 : i32
    %div3A_170 = vector.broadcast %div3A_169 : i32 to vector<200x1xi32>
    %div3A_171 = arith.divsi %sub3A_168, %div3A_170 : vector<200x1xi32>
    %add3A_172 = arith.addi %select_n3A_166, %div3A_171 : vector<200x1xi32>
    %gt3A_173 = vector.broadcast %add3A_172 : vector<200x1xi32> to vector<200x128xi32>
    %gt3A_174 = arith.cmpi sgt, %max3A_37, %gt3A_173 : vector<200x128xi32>
    %convert_element_type3A_175 = arith.extui %gt3A_174 : vector<200x128xi1> to vector<200x128xi32>
    %reduce_sum3A_176 = arith.constant dense<0> : vector<200xi32>
    %reduce_sum3A_177 = vector.multi_reduction <add>, %convert_element_type3A_175, %reduce_sum3A_176 [1] : vector<200x128xi32> to vector<200xi32>
    %broadcast_in_dim3A_178 = vector.shape_cast %reduce_sum3A_177 : vector<200xi32> to vector<200x1xi32>
    %ge3A_179 = arith.constant 32 : i32
    %ge3A_180 = vector.broadcast %ge3A_179 : i32 to vector<200x1xi32>
    %ge3A_181 = arith.cmpi sge, %broadcast_in_dim3A_178, %ge3A_180 : vector<200x1xi32>
    %select_n3A_182 = arith.select %ge3A_181, %add3A_172, %select_n3A_166 : vector<200x1xi1>, vector<200x1xi32>
    %select_n3A_183 = arith.select %ge3A_181, %select_n3A_167, %add3A_172 : vector<200x1xi1>, vector<200x1xi32>
    %sub3A_184 = arith.subi %select_n3A_183, %select_n3A_182 : vector<200x1xi32>
    %div3A_185 = arith.constant 2 : i32
    %div3A_186 = vector.broadcast %div3A_185 : i32 to vector<200x1xi32>
    %div3A_187 = arith.divsi %sub3A_184, %div3A_186 : vector<200x1xi32>
    %add3A_188 = arith.addi %select_n3A_182, %div3A_187 : vector<200x1xi32>
    %gt3A_189 = vector.broadcast %add3A_188 : vector<200x1xi32> to vector<200x128xi32>
    %gt3A_190 = arith.cmpi sgt, %max3A_37, %gt3A_189 : vector<200x128xi32>
    %convert_element_type3A_191 = arith.extui %gt3A_190 : vector<200x128xi1> to vector<200x128xi32>
    %reduce_sum3A_192 = arith.constant dense<0> : vector<200xi32>
    %reduce_sum3A_193 = vector.multi_reduction <add>, %convert_element_type3A_191, %reduce_sum3A_192 [1] : vector<200x128xi32> to vector<200xi32>
    %broadcast_in_dim3A_194 = vector.shape_cast %reduce_sum3A_193 : vector<200xi32> to vector<200x1xi32>
    %ge3A_195 = arith.constant 32 : i32
    %ge3A_196 = vector.broadcast %ge3A_195 : i32 to vector<200x1xi32>
    %ge3A_197 = arith.cmpi sge, %broadcast_in_dim3A_194, %ge3A_196 : vector<200x1xi32>
    %select_n3A_198 = arith.select %ge3A_197, %add3A_188, %select_n3A_182 : vector<200x1xi1>, vector<200x1xi32>
    %select_n3A_199 = arith.select %ge3A_197, %select_n3A_183, %add3A_188 : vector<200x1xi1>, vector<200x1xi32>
    %sub3A_200 = arith.subi %select_n3A_199, %select_n3A_198 : vector<200x1xi32>
    %div3A_201 = arith.constant 2 : i32
    %div3A_202 = vector.broadcast %div3A_201 : i32 to vector<200x1xi32>
    %div3A_203 = arith.divsi %sub3A_200, %div3A_202 : vector<200x1xi32>
    %add3A_204 = arith.addi %select_n3A_198, %div3A_203 : vector<200x1xi32>
    %gt3A_205 = vector.broadcast %add3A_204 : vector<200x1xi32> to vector<200x128xi32>
    %gt3A_206 = arith.cmpi sgt, %max3A_37, %gt3A_205 : vector<200x128xi32>
    %convert_element_type3A_207 = arith.extui %gt3A_206 : vector<200x128xi1> to vector<200x128xi32>
    %reduce_sum3A_208 = arith.constant dense<0> : vector<200xi32>
    %reduce_sum3A_209 = vector.multi_reduction <add>, %convert_element_type3A_207, %reduce_sum3A_208 [1] : vector<200x128xi32> to vector<200xi32>
    %broadcast_in_dim3A_210 = vector.shape_cast %reduce_sum3A_209 : vector<200xi32> to vector<200x1xi32>
    %ge3A_211 = arith.constant 32 : i32
    %ge3A_212 = vector.broadcast %ge3A_211 : i32 to vector<200x1xi32>
    %ge3A_213 = arith.cmpi sge, %broadcast_in_dim3A_210, %ge3A_212 : vector<200x1xi32>
    %select_n3A_214 = arith.select %ge3A_213, %add3A_204, %select_n3A_198 : vector<200x1xi1>, vector<200x1xi32>
    %select_n3A_215 = arith.select %ge3A_213, %select_n3A_199, %add3A_204 : vector<200x1xi1>, vector<200x1xi32>
    %sub3A_216 = arith.subi %select_n3A_215, %select_n3A_214 : vector<200x1xi32>
    %div3A_217 = arith.constant 2 : i32
    %div3A_218 = vector.broadcast %div3A_217 : i32 to vector<200x1xi32>
    %div3A_219 = arith.divsi %sub3A_216, %div3A_218 : vector<200x1xi32>
    %add3A_220 = arith.addi %select_n3A_214, %div3A_219 : vector<200x1xi32>
    %gt3A_221 = vector.broadcast %add3A_220 : vector<200x1xi32> to vector<200x128xi32>
    %gt3A_222 = arith.cmpi sgt, %max3A_37, %gt3A_221 : vector<200x128xi32>
    %convert_element_type3A_223 = arith.extui %gt3A_222 : vector<200x128xi1> to vector<200x128xi32>
    %reduce_sum3A_224 = arith.constant dense<0> : vector<200xi32>
    %reduce_sum3A_225 = vector.multi_reduction <add>, %convert_element_type3A_223, %reduce_sum3A_224 [1] : vector<200x128xi32> to vector<200xi32>
    %broadcast_in_dim3A_226 = vector.shape_cast %reduce_sum3A_225 : vector<200xi32> to vector<200x1xi32>
    %ge3A_227 = arith.constant 32 : i32
    %ge3A_228 = vector.broadcast %ge3A_227 : i32 to vector<200x1xi32>
    %ge3A_229 = arith.cmpi sge, %broadcast_in_dim3A_226, %ge3A_228 : vector<200x1xi32>
    %select_n3A_230 = arith.select %ge3A_229, %add3A_220, %select_n3A_214 : vector<200x1xi1>, vector<200x1xi32>
    %select_n3A_231 = arith.select %ge3A_229, %select_n3A_215, %add3A_220 : vector<200x1xi1>, vector<200x1xi32>
    %sub3A_232 = arith.subi %select_n3A_231, %select_n3A_230 : vector<200x1xi32>
    %div3A_233 = arith.constant 2 : i32
    %div3A_234 = vector.broadcast %div3A_233 : i32 to vector<200x1xi32>
    %div3A_235 = arith.divsi %sub3A_232, %div3A_234 : vector<200x1xi32>
    %add3A_236 = arith.addi %select_n3A_230, %div3A_235 : vector<200x1xi32>
    %gt3A_237 = vector.broadcast %add3A_236 : vector<200x1xi32> to vector<200x128xi32>
    %gt3A_238 = arith.cmpi sgt, %max3A_37, %gt3A_237 : vector<200x128xi32>
    %convert_element_type3A_239 = arith.extui %gt3A_238 : vector<200x128xi1> to vector<200x128xi32>
    %reduce_sum3A_240 = arith.constant dense<0> : vector<200xi32>
    %reduce_sum3A_241 = vector.multi_reduction <add>, %convert_element_type3A_239, %reduce_sum3A_240 [1] : vector<200x128xi32> to vector<200xi32>
    %broadcast_in_dim3A_242 = vector.shape_cast %reduce_sum3A_241 : vector<200xi32> to vector<200x1xi32>
    %ge3A_243 = arith.constant 32 : i32
    %ge3A_244 = vector.broadcast %ge3A_243 : i32 to vector<200x1xi32>
    %ge3A_245 = arith.cmpi sge, %broadcast_in_dim3A_242, %ge3A_244 : vector<200x1xi32>
    %select_n3A_246 = arith.select %ge3A_245, %add3A_236, %select_n3A_230 : vector<200x1xi1>, vector<200x1xi32>
    %select_n3A_247 = arith.select %ge3A_245, %select_n3A_231, %add3A_236 : vector<200x1xi1>, vector<200x1xi32>
    %sub3A_248 = arith.subi %select_n3A_247, %select_n3A_246 : vector<200x1xi32>
    %div3A_249 = arith.constant 2 : i32
    %div3A_250 = vector.broadcast %div3A_249 : i32 to vector<200x1xi32>
    %div3A_251 = arith.divsi %sub3A_248, %div3A_250 : vector<200x1xi32>
    %add3A_252 = arith.addi %select_n3A_246, %div3A_251 : vector<200x1xi32>
    %gt3A_253 = vector.broadcast %add3A_252 : vector<200x1xi32> to vector<200x128xi32>
    %gt3A_254 = arith.cmpi sgt, %max3A_37, %gt3A_253 : vector<200x128xi32>
    %convert_element_type3A_255 = arith.extui %gt3A_254 : vector<200x128xi1> to vector<200x128xi32>
    %reduce_sum3A_256 = arith.constant dense<0> : vector<200xi32>
    %reduce_sum3A_257 = vector.multi_reduction <add>, %convert_element_type3A_255, %reduce_sum3A_256 [1] : vector<200x128xi32> to vector<200xi32>
    %broadcast_in_dim3A_258 = vector.shape_cast %reduce_sum3A_257 : vector<200xi32> to vector<200x1xi32>
    %ge3A_259 = arith.constant 32 : i32
    %ge3A_260 = vector.broadcast %ge3A_259 : i32 to vector<200x1xi32>
    %ge3A_261 = arith.cmpi sge, %broadcast_in_dim3A_258, %ge3A_260 : vector<200x1xi32>
    %select_n3A_262 = arith.select %ge3A_261, %add3A_252, %select_n3A_246 : vector<200x1xi1>, vector<200x1xi32>
    %select_n3A_263 = arith.select %ge3A_261, %select_n3A_247, %add3A_252 : vector<200x1xi1>, vector<200x1xi32>
    %sub3A_264 = arith.subi %select_n3A_263, %select_n3A_262 : vector<200x1xi32>
    %div3A_265 = arith.constant 2 : i32
    %div3A_266 = vector.broadcast %div3A_265 : i32 to vector<200x1xi32>
    %div3A_267 = arith.divsi %sub3A_264, %div3A_266 : vector<200x1xi32>
    %add3A_268 = arith.addi %select_n3A_262, %div3A_267 : vector<200x1xi32>
    %gt3A_269 = vector.broadcast %add3A_268 : vector<200x1xi32> to vector<200x128xi32>
    %gt3A_270 = arith.cmpi sgt, %max3A_37, %gt3A_269 : vector<200x128xi32>
    %convert_element_type3A_271 = arith.extui %gt3A_270 : vector<200x128xi1> to vector<200x128xi32>
    %reduce_sum3A_272 = arith.constant dense<0> : vector<200xi32>
    %reduce_sum3A_273 = vector.multi_reduction <add>, %convert_element_type3A_271, %reduce_sum3A_272 [1] : vector<200x128xi32> to vector<200xi32>
    %broadcast_in_dim3A_274 = vector.shape_cast %reduce_sum3A_273 : vector<200xi32> to vector<200x1xi32>
    %ge3A_275 = arith.constant 32 : i32
    %ge3A_276 = vector.broadcast %ge3A_275 : i32 to vector<200x1xi32>
    %ge3A_277 = arith.cmpi sge, %broadcast_in_dim3A_274, %ge3A_276 : vector<200x1xi32>
    %select_n3A_278 = arith.select %ge3A_277, %add3A_268, %select_n3A_262 : vector<200x1xi1>, vector<200x1xi32>
    %add3A_279 = arith.constant 1 : i32
    %add3A_280 = vector.broadcast %add3A_279 : i32 to vector<200x1xi32>
    %add3A_281 = arith.addi %select_n3A_278, %add3A_280 : vector<200x1xi32>
    %sub3A_282 = arith.constant 1 : i32
    %sub3A_283 = vector.broadcast %sub3A_282 : i32 to vector<200x1xi32>
    %sub3A_284 = arith.subi %add3A_281, %sub3A_283 : vector<200x1xi32>
    %sub3A_285 = vector.broadcast %sub3A_284 : vector<200x1xi32> to vector<200x10240xi32>
    %sub3A_286 = arith.subi %bitcast_convert_type3A, %sub3A_285 : vector<200x10240xi32>
    %jit3A = arith.constant 0 : i32
    %jit3A_287 = arith.constant 2047 : i32
    %max3A_288 = vector.broadcast %jit3A : i32 to vector<200x10240xi32>
    %max3A_289 = arith.maxsi %max3A_288, %sub3A_286 : vector<200x10240xi32>
    %min3A = vector.broadcast %jit3A_287 : i32 to vector<200x10240xi32>
    %min3A_290 = arith.minsi %min3A, %max3A_289 : vector<200x10240xi32>
    %convert_element_type3A_291 = arith.trunci %min3A_290 : vector<200x10240xi32> to vector<200x10240xi16>
    %sub3A_292 = arith.subi %broadcast_in_dim3A, %sub3A_284 : vector<200x1xi32>
    %jit3A_293 = arith.constant 0 : i32
    %jit3A_294 = arith.constant 2047 : i32
    %max3A_295 = vector.broadcast %jit3A_293 : i32 to vector<200x1xi32>
    %max3A_296 = arith.maxsi %max3A_295, %sub3A_292 : vector<200x1xi32>
    %min3A_297 = vector.broadcast %jit3A_294 : i32 to vector<200x1xi32>
    %min3A_298 = arith.minsi %min3A_297, %max3A_296 : vector<200x1xi32>
    %broadcast_in_dim3A_299 = arith.constant 0 : i32
    %broadcast_in_dim3A_300 = vector.broadcast %broadcast_in_dim3A_299 : i32 to vector<200x1xi32>
    %broadcast_in_dim3A_301 = arith.constant 0 : i32
    %broadcast_in_dim3A_302 = vector.broadcast %broadcast_in_dim3A_301 : i32 to vector<200x1xi32>
    %sub3A_303 = arith.subi %min3A_298, %broadcast_in_dim3A_300 : vector<200x1xi32>
    %div3A_304 = arith.constant 2 : i32
    %div3A_305 = vector.broadcast %div3A_304 : i32 to vector<200x1xi32>
    %div3A_306 = arith.divsi %sub3A_303, %div3A_305 : vector<200x1xi32>
    %add3A_307 = arith.addi %broadcast_in_dim3A_300, %div3A_306 : vector<200x1xi32>
    %convert_element_type3A_308 = arith.trunci %add3A_307 : vector<200x1xi32> to vector<200x1xi16>
    %gt3A_309 = vector.broadcast %convert_element_type3A_308 : vector<200x1xi16> to vector<200x10240xi16>
    %gt3A_310 = arith.cmpi sgt, %convert_element_type3A_291, %gt3A_309 : vector<200x10240xi16>
    %jit3A_311 = arith.constant 1 : i16
    %jit3A_312 = arith.constant 0 : i16
    %broadcast_in_dim3A_313 = vector.broadcast %jit3A_311 : i16 to vector<200x10240xi16>
    %broadcast_in_dim3A_314 = vector.broadcast %jit3A_312 : i16 to vector<200x10240xi16>
    %select_n3A_315 = arith.select %gt3A_310, %broadcast_in_dim3A_313, %broadcast_in_dim3A_314 : vector<200x10240xi1>, vector<200x10240xi16>
    %slice3A_316 = vector.extract_strided_slice %select_n3A_315 {offsets = [0, 0], sizes = [200, 5120], strides = [1, 1]} : vector<200x10240xi16> to vector<200x5120xi16>
    %slice3A_317 = vector.extract_strided_slice %select_n3A_315 {offsets = [0, 5120], sizes = [200, 5120], strides = [1, 1]} : vector<200x10240xi16> to vector<200x5120xi16>
    %add3A_318 = arith.addi %slice3A_316, %slice3A_317 : vector<200x5120xi16>
    %slice3A_319 = vector.extract_strided_slice %add3A_318 {offsets = [0, 0], sizes = [200, 2560], strides = [1, 1]} : vector<200x5120xi16> to vector<200x2560xi16>
    %slice3A_320 = vector.extract_strided_slice %add3A_318 {offsets = [0, 2560], sizes = [200, 2560], strides = [1, 1]} : vector<200x5120xi16> to vector<200x2560xi16>
    %add3A_321 = arith.addi %slice3A_319, %slice3A_320 : vector<200x2560xi16>
    %slice3A_322 = vector.extract_strided_slice %add3A_321 {offsets = [0, 0], sizes = [200, 1280], strides = [1, 1]} : vector<200x2560xi16> to vector<200x1280xi16>
    %slice3A_323 = vector.extract_strided_slice %add3A_321 {offsets = [0, 1280], sizes = [200, 1280], strides = [1, 1]} : vector<200x2560xi16> to vector<200x1280xi16>
    %add3A_324 = arith.addi %slice3A_322, %slice3A_323 : vector<200x1280xi16>
    %slice3A_325 = vector.extract_strided_slice %add3A_324 {offsets = [0, 0], sizes = [200, 640], strides = [1, 1]} : vector<200x1280xi16> to vector<200x640xi16>
    %slice3A_326 = vector.extract_strided_slice %add3A_324 {offsets = [0, 640], sizes = [200, 640], strides = [1, 1]} : vector<200x1280xi16> to vector<200x640xi16>
    %add3A_327 = arith.addi %slice3A_325, %slice3A_326 : vector<200x640xi16>
    %slice3A_328 = vector.extract_strided_slice %add3A_327 {offsets = [0, 0], sizes = [200, 128], strides = [1, 1]} : vector<200x640xi16> to vector<200x128xi16>
    %slice3A_329 = vector.extract_strided_slice %add3A_327 {offsets = [0, 128], sizes = [200, 128], strides = [1, 1]} : vector<200x640xi16> to vector<200x128xi16>
    %add3A_330 = arith.addi %slice3A_328, %slice3A_329 : vector<200x128xi16>
    %slice3A_331 = vector.extract_strided_slice %add3A_327 {offsets = [0, 256], sizes = [200, 128], strides = [1, 1]} : vector<200x640xi16> to vector<200x128xi16>
    %add3A_332 = arith.addi %add3A_330, %slice3A_331 : vector<200x128xi16>
    %slice3A_333 = vector.extract_strided_slice %add3A_327 {offsets = [0, 384], sizes = [200, 128], strides = [1, 1]} : vector<200x640xi16> to vector<200x128xi16>
    %add3A_334 = arith.addi %add3A_332, %slice3A_333 : vector<200x128xi16>
    %slice3A_335 = vector.extract_strided_slice %add3A_327 {offsets = [0, 512], sizes = [200, 128], strides = [1, 1]} : vector<200x640xi16> to vector<200x128xi16>
    %add3A_336 = arith.addi %add3A_334, %slice3A_335 : vector<200x128xi16>
    %convert_element_type3A_337 = arith.extsi %add3A_336 : vector<200x128xi16> to vector<200x128xi32>
    %reduce_sum3A_338 = arith.constant dense<0> : vector<200xi32>
    %reduce_sum3A_339 = vector.multi_reduction <add>, %convert_element_type3A_337, %reduce_sum3A_338 [1] : vector<200x128xi32> to vector<200xi32>
    %broadcast_in_dim3A_340 = vector.shape_cast %reduce_sum3A_339 : vector<200xi32> to vector<200x1xi32>
    %ge3A_341 = arith.constant 32 : i32
    %ge3A_342 = vector.broadcast %ge3A_341 : i32 to vector<200x1xi32>
    %ge3A_343 = arith.cmpi sge, %broadcast_in_dim3A_340, %ge3A_342 : vector<200x1xi32>
    %select_n3A_344 = arith.select %ge3A_343, %add3A_307, %broadcast_in_dim3A_300 : vector<200x1xi1>, vector<200x1xi32>
    %select_n3A_345 = arith.select %ge3A_343, %min3A_298, %add3A_307 : vector<200x1xi1>, vector<200x1xi32>
    %select_n3A_346 = arith.select %ge3A_343, %broadcast_in_dim3A_302, %broadcast_in_dim3A_340 : vector<200x1xi1>, vector<200x1xi32>
    %sub3A_347 = arith.subi %select_n3A_345, %select_n3A_344 : vector<200x1xi32>
    %div3A_348 = arith.constant 2 : i32
    %div3A_349 = vector.broadcast %div3A_348 : i32 to vector<200x1xi32>
    %div3A_350 = arith.divsi %sub3A_347, %div3A_349 : vector<200x1xi32>
    %add3A_351 = arith.addi %select_n3A_344, %div3A_350 : vector<200x1xi32>
    %convert_element_type3A_352 = arith.trunci %add3A_351 : vector<200x1xi32> to vector<200x1xi16>
    %gt3A_353 = vector.broadcast %convert_element_type3A_352 : vector<200x1xi16> to vector<200x10240xi16>
    %gt3A_354 = arith.cmpi sgt, %convert_element_type3A_291, %gt3A_353 : vector<200x10240xi16>
    %jit3A_355 = arith.constant 1 : i16
    %jit3A_356 = arith.constant 0 : i16
    %broadcast_in_dim3A_357 = vector.broadcast %jit3A_355 : i16 to vector<200x10240xi16>
    %broadcast_in_dim3A_358 = vector.broadcast %jit3A_356 : i16 to vector<200x10240xi16>
    %select_n3A_359 = arith.select %gt3A_354, %broadcast_in_dim3A_357, %broadcast_in_dim3A_358 : vector<200x10240xi1>, vector<200x10240xi16>
    %slice3A_360 = vector.extract_strided_slice %select_n3A_359 {offsets = [0, 0], sizes = [200, 5120], strides = [1, 1]} : vector<200x10240xi16> to vector<200x5120xi16>
    %slice3A_361 = vector.extract_strided_slice %select_n3A_359 {offsets = [0, 5120], sizes = [200, 5120], strides = [1, 1]} : vector<200x10240xi16> to vector<200x5120xi16>
    %add3A_362 = arith.addi %slice3A_360, %slice3A_361 : vector<200x5120xi16>
    %slice3A_363 = vector.extract_strided_slice %add3A_362 {offsets = [0, 0], sizes = [200, 2560], strides = [1, 1]} : vector<200x5120xi16> to vector<200x2560xi16>
    %slice3A_364 = vector.extract_strided_slice %add3A_362 {offsets = [0, 2560], sizes = [200, 2560], strides = [1, 1]} : vector<200x5120xi16> to vector<200x2560xi16>
    %add3A_365 = arith.addi %slice3A_363, %slice3A_364 : vector<200x2560xi16>
    %slice3A_366 = vector.extract_strided_slice %add3A_365 {offsets = [0, 0], sizes = [200, 1280], strides = [1, 1]} : vector<200x2560xi16> to vector<200x1280xi16>
    %slice3A_367 = vector.extract_strided_slice %add3A_365 {offsets = [0, 1280], sizes = [200, 1280], strides = [1, 1]} : vector<200x2560xi16> to vector<200x1280xi16>
    %add3A_368 = arith.addi %slice3A_366, %slice3A_367 : vector<200x1280xi16>
    %slice3A_369 = vector.extract_strided_slice %add3A_368 {offsets = [0, 0], sizes = [200, 640], strides = [1, 1]} : vector<200x1280xi16> to vector<200x640xi16>
    %slice3A_370 = vector.extract_strided_slice %add3A_368 {offsets = [0, 640], sizes = [200, 640], strides = [1, 1]} : vector<200x1280xi16> to vector<200x640xi16>
    %add3A_371 = arith.addi %slice3A_369, %slice3A_370 : vector<200x640xi16>
    %slice3A_372 = vector.extract_strided_slice %add3A_371 {offsets = [0, 0], sizes = [200, 128], strides = [1, 1]} : vector<200x640xi16> to vector<200x128xi16>
    %slice3A_373 = vector.extract_strided_slice %add3A_371 {offsets = [0, 128], sizes = [200, 128], strides = [1, 1]} : vector<200x640xi16> to vector<200x128xi16>
    %add3A_374 = arith.addi %slice3A_372, %slice3A_373 : vector<200x128xi16>
    %slice3A_375 = vector.extract_strided_slice %add3A_371 {offsets = [0, 256], sizes = [200, 128], strides = [1, 1]} : vector<200x640xi16> to vector<200x128xi16>
    %add3A_376 = arith.addi %add3A_374, %slice3A_375 : vector<200x128xi16>
    %slice3A_377 = vector.extract_strided_slice %add3A_371 {offsets = [0, 384], sizes = [200, 128], strides = [1, 1]} : vector<200x640xi16> to vector<200x128xi16>
    %add3A_378 = arith.addi %add3A_376, %slice3A_377 : vector<200x128xi16>
    %slice3A_379 = vector.extract_strided_slice %add3A_371 {offsets = [0, 512], sizes = [200, 128], strides = [1, 1]} : vector<200x640xi16> to vector<200x128xi16>
    %add3A_380 = arith.addi %add3A_378, %slice3A_379 : vector<200x128xi16>
    %convert_element_type3A_381 = arith.extsi %add3A_380 : vector<200x128xi16> to vector<200x128xi32>
    %reduce_sum3A_382 = arith.constant dense<0> : vector<200xi32>
    %reduce_sum3A_383 = vector.multi_reduction <add>, %convert_element_type3A_381, %reduce_sum3A_382 [1] : vector<200x128xi32> to vector<200xi32>
    %broadcast_in_dim3A_384 = vector.shape_cast %reduce_sum3A_383 : vector<200xi32> to vector<200x1xi32>
    %ge3A_385 = arith.constant 32 : i32
    %ge3A_386 = vector.broadcast %ge3A_385 : i32 to vector<200x1xi32>
    %ge3A_387 = arith.cmpi sge, %broadcast_in_dim3A_384, %ge3A_386 : vector<200x1xi32>
    %select_n3A_388 = arith.select %ge3A_387, %add3A_351, %select_n3A_344 : vector<200x1xi1>, vector<200x1xi32>
    %select_n3A_389 = arith.select %ge3A_387, %select_n3A_345, %add3A_351 : vector<200x1xi1>, vector<200x1xi32>
    %select_n3A_390 = arith.select %ge3A_387, %select_n3A_346, %broadcast_in_dim3A_384 : vector<200x1xi1>, vector<200x1xi32>
    %sub3A_391 = arith.subi %select_n3A_389, %select_n3A_388 : vector<200x1xi32>
    %div3A_392 = arith.constant 2 : i32
    %div3A_393 = vector.broadcast %div3A_392 : i32 to vector<200x1xi32>
    %div3A_394 = arith.divsi %sub3A_391, %div3A_393 : vector<200x1xi32>
    %add3A_395 = arith.addi %select_n3A_388, %div3A_394 : vector<200x1xi32>
    %convert_element_type3A_396 = arith.trunci %add3A_395 : vector<200x1xi32> to vector<200x1xi16>
    %gt3A_397 = vector.broadcast %convert_element_type3A_396 : vector<200x1xi16> to vector<200x10240xi16>
    %gt3A_398 = arith.cmpi sgt, %convert_element_type3A_291, %gt3A_397 : vector<200x10240xi16>
    %jit3A_399 = arith.constant 1 : i16
    %jit3A_400 = arith.constant 0 : i16
    %broadcast_in_dim3A_401 = vector.broadcast %jit3A_399 : i16 to vector<200x10240xi16>
    %broadcast_in_dim3A_402 = vector.broadcast %jit3A_400 : i16 to vector<200x10240xi16>
    %select_n3A_403 = arith.select %gt3A_398, %broadcast_in_dim3A_401, %broadcast_in_dim3A_402 : vector<200x10240xi1>, vector<200x10240xi16>
    %slice3A_404 = vector.extract_strided_slice %select_n3A_403 {offsets = [0, 0], sizes = [200, 5120], strides = [1, 1]} : vector<200x10240xi16> to vector<200x5120xi16>
    %slice3A_405 = vector.extract_strided_slice %select_n3A_403 {offsets = [0, 5120], sizes = [200, 5120], strides = [1, 1]} : vector<200x10240xi16> to vector<200x5120xi16>
    %add3A_406 = arith.addi %slice3A_404, %slice3A_405 : vector<200x5120xi16>
    %slice3A_407 = vector.extract_strided_slice %add3A_406 {offsets = [0, 0], sizes = [200, 2560], strides = [1, 1]} : vector<200x5120xi16> to vector<200x2560xi16>
    %slice3A_408 = vector.extract_strided_slice %add3A_406 {offsets = [0, 2560], sizes = [200, 2560], strides = [1, 1]} : vector<200x5120xi16> to vector<200x2560xi16>
    %add3A_409 = arith.addi %slice3A_407, %slice3A_408 : vector<200x2560xi16>
    %slice3A_410 = vector.extract_strided_slice %add3A_409 {offsets = [0, 0], sizes = [200, 1280], strides = [1, 1]} : vector<200x2560xi16> to vector<200x1280xi16>
    %slice3A_411 = vector.extract_strided_slice %add3A_409 {offsets = [0, 1280], sizes = [200, 1280], strides = [1, 1]} : vector<200x2560xi16> to vector<200x1280xi16>
    %add3A_412 = arith.addi %slice3A_410, %slice3A_411 : vector<200x1280xi16>
    %slice3A_413 = vector.extract_strided_slice %add3A_412 {offsets = [0, 0], sizes = [200, 640], strides = [1, 1]} : vector<200x1280xi16> to vector<200x640xi16>
    %slice3A_414 = vector.extract_strided_slice %add3A_412 {offsets = [0, 640], sizes = [200, 640], strides = [1, 1]} : vector<200x1280xi16> to vector<200x640xi16>
    %add3A_415 = arith.addi %slice3A_413, %slice3A_414 : vector<200x640xi16>
    %slice3A_416 = vector.extract_strided_slice %add3A_415 {offsets = [0, 0], sizes = [200, 128], strides = [1, 1]} : vector<200x640xi16> to vector<200x128xi16>
    %slice3A_417 = vector.extract_strided_slice %add3A_415 {offsets = [0, 128], sizes = [200, 128], strides = [1, 1]} : vector<200x640xi16> to vector<200x128xi16>
    %add3A_418 = arith.addi %slice3A_416, %slice3A_417 : vector<200x128xi16>
    %slice3A_419 = vector.extract_strided_slice %add3A_415 {offsets = [0, 256], sizes = [200, 128], strides = [1, 1]} : vector<200x640xi16> to vector<200x128xi16>
    %add3A_420 = arith.addi %add3A_418, %slice3A_419 : vector<200x128xi16>
    %slice3A_421 = vector.extract_strided_slice %add3A_415 {offsets = [0, 384], sizes = [200, 128], strides = [1, 1]} : vector<200x640xi16> to vector<200x128xi16>
    %add3A_422 = arith.addi %add3A_420, %slice3A_421 : vector<200x128xi16>
    %slice3A_423 = vector.extract_strided_slice %add3A_415 {offsets = [0, 512], sizes = [200, 128], strides = [1, 1]} : vector<200x640xi16> to vector<200x128xi16>
    %add3A_424 = arith.addi %add3A_422, %slice3A_423 : vector<200x128xi16>
    %convert_element_type3A_425 = arith.extsi %add3A_424 : vector<200x128xi16> to vector<200x128xi32>
    %reduce_sum3A_426 = arith.constant dense<0> : vector<200xi32>
    %reduce_sum3A_427 = vector.multi_reduction <add>, %convert_element_type3A_425, %reduce_sum3A_426 [1] : vector<200x128xi32> to vector<200xi32>
    %broadcast_in_dim3A_428 = vector.shape_cast %reduce_sum3A_427 : vector<200xi32> to vector<200x1xi32>
    %ge3A_429 = arith.constant 32 : i32
    %ge3A_430 = vector.broadcast %ge3A_429 : i32 to vector<200x1xi32>
    %ge3A_431 = arith.cmpi sge, %broadcast_in_dim3A_428, %ge3A_430 : vector<200x1xi32>
    %select_n3A_432 = arith.select %ge3A_431, %add3A_395, %select_n3A_388 : vector<200x1xi1>, vector<200x1xi32>
    %select_n3A_433 = arith.select %ge3A_431, %select_n3A_389, %add3A_395 : vector<200x1xi1>, vector<200x1xi32>
    %select_n3A_434 = arith.select %ge3A_431, %select_n3A_390, %broadcast_in_dim3A_428 : vector<200x1xi1>, vector<200x1xi32>
    %sub3A_435 = arith.subi %select_n3A_433, %select_n3A_432 : vector<200x1xi32>
    %div3A_436 = arith.constant 2 : i32
    %div3A_437 = vector.broadcast %div3A_436 : i32 to vector<200x1xi32>
    %div3A_438 = arith.divsi %sub3A_435, %div3A_437 : vector<200x1xi32>
    %add3A_439 = arith.addi %select_n3A_432, %div3A_438 : vector<200x1xi32>
    %convert_element_type3A_440 = arith.trunci %add3A_439 : vector<200x1xi32> to vector<200x1xi16>
    %gt3A_441 = vector.broadcast %convert_element_type3A_440 : vector<200x1xi16> to vector<200x10240xi16>
    %gt3A_442 = arith.cmpi sgt, %convert_element_type3A_291, %gt3A_441 : vector<200x10240xi16>
    %jit3A_443 = arith.constant 1 : i16
    %jit3A_444 = arith.constant 0 : i16
    %broadcast_in_dim3A_445 = vector.broadcast %jit3A_443 : i16 to vector<200x10240xi16>
    %broadcast_in_dim3A_446 = vector.broadcast %jit3A_444 : i16 to vector<200x10240xi16>
    %select_n3A_447 = arith.select %gt3A_442, %broadcast_in_dim3A_445, %broadcast_in_dim3A_446 : vector<200x10240xi1>, vector<200x10240xi16>
    %slice3A_448 = vector.extract_strided_slice %select_n3A_447 {offsets = [0, 0], sizes = [200, 5120], strides = [1, 1]} : vector<200x10240xi16> to vector<200x5120xi16>
    %slice3A_449 = vector.extract_strided_slice %select_n3A_447 {offsets = [0, 5120], sizes = [200, 5120], strides = [1, 1]} : vector<200x10240xi16> to vector<200x5120xi16>
    %add3A_450 = arith.addi %slice3A_448, %slice3A_449 : vector<200x5120xi16>
    %slice3A_451 = vector.extract_strided_slice %add3A_450 {offsets = [0, 0], sizes = [200, 2560], strides = [1, 1]} : vector<200x5120xi16> to vector<200x2560xi16>
    %slice3A_452 = vector.extract_strided_slice %add3A_450 {offsets = [0, 2560], sizes = [200, 2560], strides = [1, 1]} : vector<200x5120xi16> to vector<200x2560xi16>
    %add3A_453 = arith.addi %slice3A_451, %slice3A_452 : vector<200x2560xi16>
    %slice3A_454 = vector.extract_strided_slice %add3A_453 {offsets = [0, 0], sizes = [200, 1280], strides = [1, 1]} : vector<200x2560xi16> to vector<200x1280xi16>
    %slice3A_455 = vector.extract_strided_slice %add3A_453 {offsets = [0, 1280], sizes = [200, 1280], strides = [1, 1]} : vector<200x2560xi16> to vector<200x1280xi16>
    %add3A_456 = arith.addi %slice3A_454, %slice3A_455 : vector<200x1280xi16>
    %slice3A_457 = vector.extract_strided_slice %add3A_456 {offsets = [0, 0], sizes = [200, 640], strides = [1, 1]} : vector<200x1280xi16> to vector<200x640xi16>
    %slice3A_458 = vector.extract_strided_slice %add3A_456 {offsets = [0, 640], sizes = [200, 640], strides = [1, 1]} : vector<200x1280xi16> to vector<200x640xi16>
    %add3A_459 = arith.addi %slice3A_457, %slice3A_458 : vector<200x640xi16>
    %slice3A_460 = vector.extract_strided_slice %add3A_459 {offsets = [0, 0], sizes = [200, 128], strides = [1, 1]} : vector<200x640xi16> to vector<200x128xi16>
    %slice3A_461 = vector.extract_strided_slice %add3A_459 {offsets = [0, 128], sizes = [200, 128], strides = [1, 1]} : vector<200x640xi16> to vector<200x128xi16>
    %add3A_462 = arith.addi %slice3A_460, %slice3A_461 : vector<200x128xi16>
    %slice3A_463 = vector.extract_strided_slice %add3A_459 {offsets = [0, 256], sizes = [200, 128], strides = [1, 1]} : vector<200x640xi16> to vector<200x128xi16>
    %add3A_464 = arith.addi %add3A_462, %slice3A_463 : vector<200x128xi16>
    %slice3A_465 = vector.extract_strided_slice %add3A_459 {offsets = [0, 384], sizes = [200, 128], strides = [1, 1]} : vector<200x640xi16> to vector<200x128xi16>
    %add3A_466 = arith.addi %add3A_464, %slice3A_465 : vector<200x128xi16>
    %slice3A_467 = vector.extract_strided_slice %add3A_459 {offsets = [0, 512], sizes = [200, 128], strides = [1, 1]} : vector<200x640xi16> to vector<200x128xi16>
    %add3A_468 = arith.addi %add3A_466, %slice3A_467 : vector<200x128xi16>
    %convert_element_type3A_469 = arith.extsi %add3A_468 : vector<200x128xi16> to vector<200x128xi32>
    %reduce_sum3A_470 = arith.constant dense<0> : vector<200xi32>
    %reduce_sum3A_471 = vector.multi_reduction <add>, %convert_element_type3A_469, %reduce_sum3A_470 [1] : vector<200x128xi32> to vector<200xi32>
    %broadcast_in_dim3A_472 = vector.shape_cast %reduce_sum3A_471 : vector<200xi32> to vector<200x1xi32>
    %ge3A_473 = arith.constant 32 : i32
    %ge3A_474 = vector.broadcast %ge3A_473 : i32 to vector<200x1xi32>
    %ge3A_475 = arith.cmpi sge, %broadcast_in_dim3A_472, %ge3A_474 : vector<200x1xi32>
    %select_n3A_476 = arith.select %ge3A_475, %add3A_439, %select_n3A_432 : vector<200x1xi1>, vector<200x1xi32>
    %select_n3A_477 = arith.select %ge3A_475, %select_n3A_433, %add3A_439 : vector<200x1xi1>, vector<200x1xi32>
    %select_n3A_478 = arith.select %ge3A_475, %select_n3A_434, %broadcast_in_dim3A_472 : vector<200x1xi1>, vector<200x1xi32>
    %sub3A_479 = arith.subi %select_n3A_477, %select_n3A_476 : vector<200x1xi32>
    %div3A_480 = arith.constant 2 : i32
    %div3A_481 = vector.broadcast %div3A_480 : i32 to vector<200x1xi32>
    %div3A_482 = arith.divsi %sub3A_479, %div3A_481 : vector<200x1xi32>
    %add3A_483 = arith.addi %select_n3A_476, %div3A_482 : vector<200x1xi32>
    %convert_element_type3A_484 = arith.trunci %add3A_483 : vector<200x1xi32> to vector<200x1xi16>
    %gt3A_485 = vector.broadcast %convert_element_type3A_484 : vector<200x1xi16> to vector<200x10240xi16>
    %gt3A_486 = arith.cmpi sgt, %convert_element_type3A_291, %gt3A_485 : vector<200x10240xi16>
    %jit3A_487 = arith.constant 1 : i16
    %jit3A_488 = arith.constant 0 : i16
    %broadcast_in_dim3A_489 = vector.broadcast %jit3A_487 : i16 to vector<200x10240xi16>
    %broadcast_in_dim3A_490 = vector.broadcast %jit3A_488 : i16 to vector<200x10240xi16>
    %select_n3A_491 = arith.select %gt3A_486, %broadcast_in_dim3A_489, %broadcast_in_dim3A_490 : vector<200x10240xi1>, vector<200x10240xi16>
    %slice3A_492 = vector.extract_strided_slice %select_n3A_491 {offsets = [0, 0], sizes = [200, 5120], strides = [1, 1]} : vector<200x10240xi16> to vector<200x5120xi16>
    %slice3A_493 = vector.extract_strided_slice %select_n3A_491 {offsets = [0, 5120], sizes = [200, 5120], strides = [1, 1]} : vector<200x10240xi16> to vector<200x5120xi16>
    %add3A_494 = arith.addi %slice3A_492, %slice3A_493 : vector<200x5120xi16>
    %slice3A_495 = vector.extract_strided_slice %add3A_494 {offsets = [0, 0], sizes = [200, 2560], strides = [1, 1]} : vector<200x5120xi16> to vector<200x2560xi16>
    %slice3A_496 = vector.extract_strided_slice %add3A_494 {offsets = [0, 2560], sizes = [200, 2560], strides = [1, 1]} : vector<200x5120xi16> to vector<200x2560xi16>
    %add3A_497 = arith.addi %slice3A_495, %slice3A_496 : vector<200x2560xi16>
    %slice3A_498 = vector.extract_strided_slice %add3A_497 {offsets = [0, 0], sizes = [200, 1280], strides = [1, 1]} : vector<200x2560xi16> to vector<200x1280xi16>
    %slice3A_499 = vector.extract_strided_slice %add3A_497 {offsets = [0, 1280], sizes = [200, 1280], strides = [1, 1]} : vector<200x2560xi16> to vector<200x1280xi16>
    %add3A_500 = arith.addi %slice3A_498, %slice3A_499 : vector<200x1280xi16>
    %slice3A_501 = vector.extract_strided_slice %add3A_500 {offsets = [0, 0], sizes = [200, 640], strides = [1, 1]} : vector<200x1280xi16> to vector<200x640xi16>
    %slice3A_502 = vector.extract_strided_slice %add3A_500 {offsets = [0, 640], sizes = [200, 640], strides = [1, 1]} : vector<200x1280xi16> to vector<200x640xi16>
    %add3A_503 = arith.addi %slice3A_501, %slice3A_502 : vector<200x640xi16>
    %slice3A_504 = vector.extract_strided_slice %add3A_503 {offsets = [0, 0], sizes = [200, 128], strides = [1, 1]} : vector<200x640xi16> to vector<200x128xi16>
    %slice3A_505 = vector.extract_strided_slice %add3A_503 {offsets = [0, 128], sizes = [200, 128], strides = [1, 1]} : vector<200x640xi16> to vector<200x128xi16>
    %add3A_506 = arith.addi %slice3A_504, %slice3A_505 : vector<200x128xi16>
    %slice3A_507 = vector.extract_strided_slice %add3A_503 {offsets = [0, 256], sizes = [200, 128], strides = [1, 1]} : vector<200x640xi16> to vector<200x128xi16>
    %add3A_508 = arith.addi %add3A_506, %slice3A_507 : vector<200x128xi16>
    %slice3A_509 = vector.extract_strided_slice %add3A_503 {offsets = [0, 384], sizes = [200, 128], strides = [1, 1]} : vector<200x640xi16> to vector<200x128xi16>
    %add3A_510 = arith.addi %add3A_508, %slice3A_509 : vector<200x128xi16>
    %slice3A_511 = vector.extract_strided_slice %add3A_503 {offsets = [0, 512], sizes = [200, 128], strides = [1, 1]} : vector<200x640xi16> to vector<200x128xi16>
    %add3A_512 = arith.addi %add3A_510, %slice3A_511 : vector<200x128xi16>
    %convert_element_type3A_513 = arith.extsi %add3A_512 : vector<200x128xi16> to vector<200x128xi32>
    %reduce_sum3A_514 = arith.constant dense<0> : vector<200xi32>
    %reduce_sum3A_515 = vector.multi_reduction <add>, %convert_element_type3A_513, %reduce_sum3A_514 [1] : vector<200x128xi32> to vector<200xi32>
    %broadcast_in_dim3A_516 = vector.shape_cast %reduce_sum3A_515 : vector<200xi32> to vector<200x1xi32>
    %ge3A_517 = arith.constant 32 : i32
    %ge3A_518 = vector.broadcast %ge3A_517 : i32 to vector<200x1xi32>
    %ge3A_519 = arith.cmpi sge, %broadcast_in_dim3A_516, %ge3A_518 : vector<200x1xi32>
    %select_n3A_520 = arith.select %ge3A_519, %add3A_483, %select_n3A_476 : vector<200x1xi1>, vector<200x1xi32>
    %select_n3A_521 = arith.select %ge3A_519, %select_n3A_477, %add3A_483 : vector<200x1xi1>, vector<200x1xi32>
    %select_n3A_522 = arith.select %ge3A_519, %select_n3A_478, %broadcast_in_dim3A_516 : vector<200x1xi1>, vector<200x1xi32>
    %sub3A_523 = arith.subi %select_n3A_521, %select_n3A_520 : vector<200x1xi32>
    %div3A_524 = arith.constant 2 : i32
    %div3A_525 = vector.broadcast %div3A_524 : i32 to vector<200x1xi32>
    %div3A_526 = arith.divsi %sub3A_523, %div3A_525 : vector<200x1xi32>
    %add3A_527 = arith.addi %select_n3A_520, %div3A_526 : vector<200x1xi32>
    %convert_element_type3A_528 = arith.trunci %add3A_527 : vector<200x1xi32> to vector<200x1xi16>
    %gt3A_529 = vector.broadcast %convert_element_type3A_528 : vector<200x1xi16> to vector<200x10240xi16>
    %gt3A_530 = arith.cmpi sgt, %convert_element_type3A_291, %gt3A_529 : vector<200x10240xi16>
    %jit3A_531 = arith.constant 1 : i16
    %jit3A_532 = arith.constant 0 : i16
    %broadcast_in_dim3A_533 = vector.broadcast %jit3A_531 : i16 to vector<200x10240xi16>
    %broadcast_in_dim3A_534 = vector.broadcast %jit3A_532 : i16 to vector<200x10240xi16>
    %select_n3A_535 = arith.select %gt3A_530, %broadcast_in_dim3A_533, %broadcast_in_dim3A_534 : vector<200x10240xi1>, vector<200x10240xi16>
    %slice3A_536 = vector.extract_strided_slice %select_n3A_535 {offsets = [0, 0], sizes = [200, 5120], strides = [1, 1]} : vector<200x10240xi16> to vector<200x5120xi16>
    %slice3A_537 = vector.extract_strided_slice %select_n3A_535 {offsets = [0, 5120], sizes = [200, 5120], strides = [1, 1]} : vector<200x10240xi16> to vector<200x5120xi16>
    %add3A_538 = arith.addi %slice3A_536, %slice3A_537 : vector<200x5120xi16>
    %slice3A_539 = vector.extract_strided_slice %add3A_538 {offsets = [0, 0], sizes = [200, 2560], strides = [1, 1]} : vector<200x5120xi16> to vector<200x2560xi16>
    %slice3A_540 = vector.extract_strided_slice %add3A_538 {offsets = [0, 2560], sizes = [200, 2560], strides = [1, 1]} : vector<200x5120xi16> to vector<200x2560xi16>
    %add3A_541 = arith.addi %slice3A_539, %slice3A_540 : vector<200x2560xi16>
    %slice3A_542 = vector.extract_strided_slice %add3A_541 {offsets = [0, 0], sizes = [200, 1280], strides = [1, 1]} : vector<200x2560xi16> to vector<200x1280xi16>
    %slice3A_543 = vector.extract_strided_slice %add3A_541 {offsets = [0, 1280], sizes = [200, 1280], strides = [1, 1]} : vector<200x2560xi16> to vector<200x1280xi16>
    %add3A_544 = arith.addi %slice3A_542, %slice3A_543 : vector<200x1280xi16>
    %slice3A_545 = vector.extract_strided_slice %add3A_544 {offsets = [0, 0], sizes = [200, 640], strides = [1, 1]} : vector<200x1280xi16> to vector<200x640xi16>
    %slice3A_546 = vector.extract_strided_slice %add3A_544 {offsets = [0, 640], sizes = [200, 640], strides = [1, 1]} : vector<200x1280xi16> to vector<200x640xi16>
    %add3A_547 = arith.addi %slice3A_545, %slice3A_546 : vector<200x640xi16>
    %slice3A_548 = vector.extract_strided_slice %add3A_547 {offsets = [0, 0], sizes = [200, 128], strides = [1, 1]} : vector<200x640xi16> to vector<200x128xi16>
    %slice3A_549 = vector.extract_strided_slice %add3A_547 {offsets = [0, 128], sizes = [200, 128], strides = [1, 1]} : vector<200x640xi16> to vector<200x128xi16>
    %add3A_550 = arith.addi %slice3A_548, %slice3A_549 : vector<200x128xi16>
    %slice3A_551 = vector.extract_strided_slice %add3A_547 {offsets = [0, 256], sizes = [200, 128], strides = [1, 1]} : vector<200x640xi16> to vector<200x128xi16>
    %add3A_552 = arith.addi %add3A_550, %slice3A_551 : vector<200x128xi16>
    %slice3A_553 = vector.extract_strided_slice %add3A_547 {offsets = [0, 384], sizes = [200, 128], strides = [1, 1]} : vector<200x640xi16> to vector<200x128xi16>
    %add3A_554 = arith.addi %add3A_552, %slice3A_553 : vector<200x128xi16>
    %slice3A_555 = vector.extract_strided_slice %add3A_547 {offsets = [0, 512], sizes = [200, 128], strides = [1, 1]} : vector<200x640xi16> to vector<200x128xi16>
    %add3A_556 = arith.addi %add3A_554, %slice3A_555 : vector<200x128xi16>
    %convert_element_type3A_557 = arith.extsi %add3A_556 : vector<200x128xi16> to vector<200x128xi32>
    %reduce_sum3A_558 = arith.constant dense<0> : vector<200xi32>
    %reduce_sum3A_559 = vector.multi_reduction <add>, %convert_element_type3A_557, %reduce_sum3A_558 [1] : vector<200x128xi32> to vector<200xi32>
    %broadcast_in_dim3A_560 = vector.shape_cast %reduce_sum3A_559 : vector<200xi32> to vector<200x1xi32>
    %ge3A_561 = arith.constant 32 : i32
    %ge3A_562 = vector.broadcast %ge3A_561 : i32 to vector<200x1xi32>
    %ge3A_563 = arith.cmpi sge, %broadcast_in_dim3A_560, %ge3A_562 : vector<200x1xi32>
    %select_n3A_564 = arith.select %ge3A_563, %add3A_527, %select_n3A_520 : vector<200x1xi1>, vector<200x1xi32>
    %select_n3A_565 = arith.select %ge3A_563, %select_n3A_521, %add3A_527 : vector<200x1xi1>, vector<200x1xi32>
    %select_n3A_566 = arith.select %ge3A_563, %select_n3A_522, %broadcast_in_dim3A_560 : vector<200x1xi1>, vector<200x1xi32>
    %sub3A_567 = arith.subi %select_n3A_565, %select_n3A_564 : vector<200x1xi32>
    %div3A_568 = arith.constant 2 : i32
    %div3A_569 = vector.broadcast %div3A_568 : i32 to vector<200x1xi32>
    %div3A_570 = arith.divsi %sub3A_567, %div3A_569 : vector<200x1xi32>
    %add3A_571 = arith.addi %select_n3A_564, %div3A_570 : vector<200x1xi32>
    %convert_element_type3A_572 = arith.trunci %add3A_571 : vector<200x1xi32> to vector<200x1xi16>
    %gt3A_573 = vector.broadcast %convert_element_type3A_572 : vector<200x1xi16> to vector<200x10240xi16>
    %gt3A_574 = arith.cmpi sgt, %convert_element_type3A_291, %gt3A_573 : vector<200x10240xi16>
    %jit3A_575 = arith.constant 1 : i16
    %jit3A_576 = arith.constant 0 : i16
    %broadcast_in_dim3A_577 = vector.broadcast %jit3A_575 : i16 to vector<200x10240xi16>
    %broadcast_in_dim3A_578 = vector.broadcast %jit3A_576 : i16 to vector<200x10240xi16>
    %select_n3A_579 = arith.select %gt3A_574, %broadcast_in_dim3A_577, %broadcast_in_dim3A_578 : vector<200x10240xi1>, vector<200x10240xi16>
    %slice3A_580 = vector.extract_strided_slice %select_n3A_579 {offsets = [0, 0], sizes = [200, 5120], strides = [1, 1]} : vector<200x10240xi16> to vector<200x5120xi16>
    %slice3A_581 = vector.extract_strided_slice %select_n3A_579 {offsets = [0, 5120], sizes = [200, 5120], strides = [1, 1]} : vector<200x10240xi16> to vector<200x5120xi16>
    %add3A_582 = arith.addi %slice3A_580, %slice3A_581 : vector<200x5120xi16>
    %slice3A_583 = vector.extract_strided_slice %add3A_582 {offsets = [0, 0], sizes = [200, 2560], strides = [1, 1]} : vector<200x5120xi16> to vector<200x2560xi16>
    %slice3A_584 = vector.extract_strided_slice %add3A_582 {offsets = [0, 2560], sizes = [200, 2560], strides = [1, 1]} : vector<200x5120xi16> to vector<200x2560xi16>
    %add3A_585 = arith.addi %slice3A_583, %slice3A_584 : vector<200x2560xi16>
    %slice3A_586 = vector.extract_strided_slice %add3A_585 {offsets = [0, 0], sizes = [200, 1280], strides = [1, 1]} : vector<200x2560xi16> to vector<200x1280xi16>
    %slice3A_587 = vector.extract_strided_slice %add3A_585 {offsets = [0, 1280], sizes = [200, 1280], strides = [1, 1]} : vector<200x2560xi16> to vector<200x1280xi16>
    %add3A_588 = arith.addi %slice3A_586, %slice3A_587 : vector<200x1280xi16>
    %slice3A_589 = vector.extract_strided_slice %add3A_588 {offsets = [0, 0], sizes = [200, 640], strides = [1, 1]} : vector<200x1280xi16> to vector<200x640xi16>
    %slice3A_590 = vector.extract_strided_slice %add3A_588 {offsets = [0, 640], sizes = [200, 640], strides = [1, 1]} : vector<200x1280xi16> to vector<200x640xi16>
    %add3A_591 = arith.addi %slice3A_589, %slice3A_590 : vector<200x640xi16>
    %slice3A_592 = vector.extract_strided_slice %add3A_591 {offsets = [0, 0], sizes = [200, 128], strides = [1, 1]} : vector<200x640xi16> to vector<200x128xi16>
    %slice3A_593 = vector.extract_strided_slice %add3A_591 {offsets = [0, 128], sizes = [200, 128], strides = [1, 1]} : vector<200x640xi16> to vector<200x128xi16>
    %add3A_594 = arith.addi %slice3A_592, %slice3A_593 : vector<200x128xi16>
    %slice3A_595 = vector.extract_strided_slice %add3A_591 {offsets = [0, 256], sizes = [200, 128], strides = [1, 1]} : vector<200x640xi16> to vector<200x128xi16>
    %add3A_596 = arith.addi %add3A_594, %slice3A_595 : vector<200x128xi16>
    %slice3A_597 = vector.extract_strided_slice %add3A_591 {offsets = [0, 384], sizes = [200, 128], strides = [1, 1]} : vector<200x640xi16> to vector<200x128xi16>
    %add3A_598 = arith.addi %add3A_596, %slice3A_597 : vector<200x128xi16>
    %slice3A_599 = vector.extract_strided_slice %add3A_591 {offsets = [0, 512], sizes = [200, 128], strides = [1, 1]} : vector<200x640xi16> to vector<200x128xi16>
    %add3A_600 = arith.addi %add3A_598, %slice3A_599 : vector<200x128xi16>
    %convert_element_type3A_601 = arith.extsi %add3A_600 : vector<200x128xi16> to vector<200x128xi32>
    %reduce_sum3A_602 = arith.constant dense<0> : vector<200xi32>
    %reduce_sum3A_603 = vector.multi_reduction <add>, %convert_element_type3A_601, %reduce_sum3A_602 [1] : vector<200x128xi32> to vector<200xi32>
    %broadcast_in_dim3A_604 = vector.shape_cast %reduce_sum3A_603 : vector<200xi32> to vector<200x1xi32>
    %ge3A_605 = arith.constant 32 : i32
    %ge3A_606 = vector.broadcast %ge3A_605 : i32 to vector<200x1xi32>
    %ge3A_607 = arith.cmpi sge, %broadcast_in_dim3A_604, %ge3A_606 : vector<200x1xi32>
    %select_n3A_608 = arith.select %ge3A_607, %add3A_571, %select_n3A_564 : vector<200x1xi1>, vector<200x1xi32>
    %select_n3A_609 = arith.select %ge3A_607, %select_n3A_565, %add3A_571 : vector<200x1xi1>, vector<200x1xi32>
    %select_n3A_610 = arith.select %ge3A_607, %select_n3A_566, %broadcast_in_dim3A_604 : vector<200x1xi1>, vector<200x1xi32>
    %sub3A_611 = arith.subi %select_n3A_609, %select_n3A_608 : vector<200x1xi32>
    %div3A_612 = arith.constant 2 : i32
    %div3A_613 = vector.broadcast %div3A_612 : i32 to vector<200x1xi32>
    %div3A_614 = arith.divsi %sub3A_611, %div3A_613 : vector<200x1xi32>
    %add3A_615 = arith.addi %select_n3A_608, %div3A_614 : vector<200x1xi32>
    %convert_element_type3A_616 = arith.trunci %add3A_615 : vector<200x1xi32> to vector<200x1xi16>
    %gt3A_617 = vector.broadcast %convert_element_type3A_616 : vector<200x1xi16> to vector<200x10240xi16>
    %gt3A_618 = arith.cmpi sgt, %convert_element_type3A_291, %gt3A_617 : vector<200x10240xi16>
    %jit3A_619 = arith.constant 1 : i16
    %jit3A_620 = arith.constant 0 : i16
    %broadcast_in_dim3A_621 = vector.broadcast %jit3A_619 : i16 to vector<200x10240xi16>
    %broadcast_in_dim3A_622 = vector.broadcast %jit3A_620 : i16 to vector<200x10240xi16>
    %select_n3A_623 = arith.select %gt3A_618, %broadcast_in_dim3A_621, %broadcast_in_dim3A_622 : vector<200x10240xi1>, vector<200x10240xi16>
    %slice3A_624 = vector.extract_strided_slice %select_n3A_623 {offsets = [0, 0], sizes = [200, 5120], strides = [1, 1]} : vector<200x10240xi16> to vector<200x5120xi16>
    %slice3A_625 = vector.extract_strided_slice %select_n3A_623 {offsets = [0, 5120], sizes = [200, 5120], strides = [1, 1]} : vector<200x10240xi16> to vector<200x5120xi16>
    %add3A_626 = arith.addi %slice3A_624, %slice3A_625 : vector<200x5120xi16>
    %slice3A_627 = vector.extract_strided_slice %add3A_626 {offsets = [0, 0], sizes = [200, 2560], strides = [1, 1]} : vector<200x5120xi16> to vector<200x2560xi16>
    %slice3A_628 = vector.extract_strided_slice %add3A_626 {offsets = [0, 2560], sizes = [200, 2560], strides = [1, 1]} : vector<200x5120xi16> to vector<200x2560xi16>
    %add3A_629 = arith.addi %slice3A_627, %slice3A_628 : vector<200x2560xi16>
    %slice3A_630 = vector.extract_strided_slice %add3A_629 {offsets = [0, 0], sizes = [200, 1280], strides = [1, 1]} : vector<200x2560xi16> to vector<200x1280xi16>
    %slice3A_631 = vector.extract_strided_slice %add3A_629 {offsets = [0, 1280], sizes = [200, 1280], strides = [1, 1]} : vector<200x2560xi16> to vector<200x1280xi16>
    %add3A_632 = arith.addi %slice3A_630, %slice3A_631 : vector<200x1280xi16>
    %slice3A_633 = vector.extract_strided_slice %add3A_632 {offsets = [0, 0], sizes = [200, 640], strides = [1, 1]} : vector<200x1280xi16> to vector<200x640xi16>
    %slice3A_634 = vector.extract_strided_slice %add3A_632 {offsets = [0, 640], sizes = [200, 640], strides = [1, 1]} : vector<200x1280xi16> to vector<200x640xi16>
    %add3A_635 = arith.addi %slice3A_633, %slice3A_634 : vector<200x640xi16>
    %slice3A_636 = vector.extract_strided_slice %add3A_635 {offsets = [0, 0], sizes = [200, 128], strides = [1, 1]} : vector<200x640xi16> to vector<200x128xi16>
    %slice3A_637 = vector.extract_strided_slice %add3A_635 {offsets = [0, 128], sizes = [200, 128], strides = [1, 1]} : vector<200x640xi16> to vector<200x128xi16>
    %add3A_638 = arith.addi %slice3A_636, %slice3A_637 : vector<200x128xi16>
    %slice3A_639 = vector.extract_strided_slice %add3A_635 {offsets = [0, 256], sizes = [200, 128], strides = [1, 1]} : vector<200x640xi16> to vector<200x128xi16>
    %add3A_640 = arith.addi %add3A_638, %slice3A_639 : vector<200x128xi16>
    %slice3A_641 = vector.extract_strided_slice %add3A_635 {offsets = [0, 384], sizes = [200, 128], strides = [1, 1]} : vector<200x640xi16> to vector<200x128xi16>
    %add3A_642 = arith.addi %add3A_640, %slice3A_641 : vector<200x128xi16>
    %slice3A_643 = vector.extract_strided_slice %add3A_635 {offsets = [0, 512], sizes = [200, 128], strides = [1, 1]} : vector<200x640xi16> to vector<200x128xi16>
    %add3A_644 = arith.addi %add3A_642, %slice3A_643 : vector<200x128xi16>
    %convert_element_type3A_645 = arith.extsi %add3A_644 : vector<200x128xi16> to vector<200x128xi32>
    %reduce_sum3A_646 = arith.constant dense<0> : vector<200xi32>
    %reduce_sum3A_647 = vector.multi_reduction <add>, %convert_element_type3A_645, %reduce_sum3A_646 [1] : vector<200x128xi32> to vector<200xi32>
    %broadcast_in_dim3A_648 = vector.shape_cast %reduce_sum3A_647 : vector<200xi32> to vector<200x1xi32>
    %ge3A_649 = arith.constant 32 : i32
    %ge3A_650 = vector.broadcast %ge3A_649 : i32 to vector<200x1xi32>
    %ge3A_651 = arith.cmpi sge, %broadcast_in_dim3A_648, %ge3A_650 : vector<200x1xi32>
    %select_n3A_652 = arith.select %ge3A_651, %add3A_615, %select_n3A_608 : vector<200x1xi1>, vector<200x1xi32>
    %select_n3A_653 = arith.select %ge3A_651, %select_n3A_609, %add3A_615 : vector<200x1xi1>, vector<200x1xi32>
    %select_n3A_654 = arith.select %ge3A_651, %select_n3A_610, %broadcast_in_dim3A_648 : vector<200x1xi1>, vector<200x1xi32>
    %sub3A_655 = arith.subi %select_n3A_653, %select_n3A_652 : vector<200x1xi32>
    %div3A_656 = arith.constant 2 : i32
    %div3A_657 = vector.broadcast %div3A_656 : i32 to vector<200x1xi32>
    %div3A_658 = arith.divsi %sub3A_655, %div3A_657 : vector<200x1xi32>
    %add3A_659 = arith.addi %select_n3A_652, %div3A_658 : vector<200x1xi32>
    %convert_element_type3A_660 = arith.trunci %add3A_659 : vector<200x1xi32> to vector<200x1xi16>
    %gt3A_661 = vector.broadcast %convert_element_type3A_660 : vector<200x1xi16> to vector<200x10240xi16>
    %gt3A_662 = arith.cmpi sgt, %convert_element_type3A_291, %gt3A_661 : vector<200x10240xi16>
    %jit3A_663 = arith.constant 1 : i16
    %jit3A_664 = arith.constant 0 : i16
    %broadcast_in_dim3A_665 = vector.broadcast %jit3A_663 : i16 to vector<200x10240xi16>
    %broadcast_in_dim3A_666 = vector.broadcast %jit3A_664 : i16 to vector<200x10240xi16>
    %select_n3A_667 = arith.select %gt3A_662, %broadcast_in_dim3A_665, %broadcast_in_dim3A_666 : vector<200x10240xi1>, vector<200x10240xi16>
    %slice3A_668 = vector.extract_strided_slice %select_n3A_667 {offsets = [0, 0], sizes = [200, 5120], strides = [1, 1]} : vector<200x10240xi16> to vector<200x5120xi16>
    %slice3A_669 = vector.extract_strided_slice %select_n3A_667 {offsets = [0, 5120], sizes = [200, 5120], strides = [1, 1]} : vector<200x10240xi16> to vector<200x5120xi16>
    %add3A_670 = arith.addi %slice3A_668, %slice3A_669 : vector<200x5120xi16>
    %slice3A_671 = vector.extract_strided_slice %add3A_670 {offsets = [0, 0], sizes = [200, 2560], strides = [1, 1]} : vector<200x5120xi16> to vector<200x2560xi16>
    %slice3A_672 = vector.extract_strided_slice %add3A_670 {offsets = [0, 2560], sizes = [200, 2560], strides = [1, 1]} : vector<200x5120xi16> to vector<200x2560xi16>
    %add3A_673 = arith.addi %slice3A_671, %slice3A_672 : vector<200x2560xi16>
    %slice3A_674 = vector.extract_strided_slice %add3A_673 {offsets = [0, 0], sizes = [200, 1280], strides = [1, 1]} : vector<200x2560xi16> to vector<200x1280xi16>
    %slice3A_675 = vector.extract_strided_slice %add3A_673 {offsets = [0, 1280], sizes = [200, 1280], strides = [1, 1]} : vector<200x2560xi16> to vector<200x1280xi16>
    %add3A_676 = arith.addi %slice3A_674, %slice3A_675 : vector<200x1280xi16>
    %slice3A_677 = vector.extract_strided_slice %add3A_676 {offsets = [0, 0], sizes = [200, 640], strides = [1, 1]} : vector<200x1280xi16> to vector<200x640xi16>
    %slice3A_678 = vector.extract_strided_slice %add3A_676 {offsets = [0, 640], sizes = [200, 640], strides = [1, 1]} : vector<200x1280xi16> to vector<200x640xi16>
    %add3A_679 = arith.addi %slice3A_677, %slice3A_678 : vector<200x640xi16>
    %slice3A_680 = vector.extract_strided_slice %add3A_679 {offsets = [0, 0], sizes = [200, 128], strides = [1, 1]} : vector<200x640xi16> to vector<200x128xi16>
    %slice3A_681 = vector.extract_strided_slice %add3A_679 {offsets = [0, 128], sizes = [200, 128], strides = [1, 1]} : vector<200x640xi16> to vector<200x128xi16>
    %add3A_682 = arith.addi %slice3A_680, %slice3A_681 : vector<200x128xi16>
    %slice3A_683 = vector.extract_strided_slice %add3A_679 {offsets = [0, 256], sizes = [200, 128], strides = [1, 1]} : vector<200x640xi16> to vector<200x128xi16>
    %add3A_684 = arith.addi %add3A_682, %slice3A_683 : vector<200x128xi16>
    %slice3A_685 = vector.extract_strided_slice %add3A_679 {offsets = [0, 384], sizes = [200, 128], strides = [1, 1]} : vector<200x640xi16> to vector<200x128xi16>
    %add3A_686 = arith.addi %add3A_684, %slice3A_685 : vector<200x128xi16>
    %slice3A_687 = vector.extract_strided_slice %add3A_679 {offsets = [0, 512], sizes = [200, 128], strides = [1, 1]} : vector<200x640xi16> to vector<200x128xi16>
    %add3A_688 = arith.addi %add3A_686, %slice3A_687 : vector<200x128xi16>
    %convert_element_type3A_689 = arith.extsi %add3A_688 : vector<200x128xi16> to vector<200x128xi32>
    %reduce_sum3A_690 = arith.constant dense<0> : vector<200xi32>
    %reduce_sum3A_691 = vector.multi_reduction <add>, %convert_element_type3A_689, %reduce_sum3A_690 [1] : vector<200x128xi32> to vector<200xi32>
    %broadcast_in_dim3A_692 = vector.shape_cast %reduce_sum3A_691 : vector<200xi32> to vector<200x1xi32>
    %ge3A_693 = arith.constant 32 : i32
    %ge3A_694 = vector.broadcast %ge3A_693 : i32 to vector<200x1xi32>
    %ge3A_695 = arith.cmpi sge, %broadcast_in_dim3A_692, %ge3A_694 : vector<200x1xi32>
    %select_n3A_696 = arith.select %ge3A_695, %add3A_659, %select_n3A_652 : vector<200x1xi1>, vector<200x1xi32>
    %select_n3A_697 = arith.select %ge3A_695, %select_n3A_653, %add3A_659 : vector<200x1xi1>, vector<200x1xi32>
    %select_n3A_698 = arith.select %ge3A_695, %select_n3A_654, %broadcast_in_dim3A_692 : vector<200x1xi1>, vector<200x1xi32>
    %sub3A_699 = arith.subi %select_n3A_697, %select_n3A_696 : vector<200x1xi32>
    %div3A_700 = arith.constant 2 : i32
    %div3A_701 = vector.broadcast %div3A_700 : i32 to vector<200x1xi32>
    %div3A_702 = arith.divsi %sub3A_699, %div3A_701 : vector<200x1xi32>
    %add3A_703 = arith.addi %select_n3A_696, %div3A_702 : vector<200x1xi32>
    %convert_element_type3A_704 = arith.trunci %add3A_703 : vector<200x1xi32> to vector<200x1xi16>
    %gt3A_705 = vector.broadcast %convert_element_type3A_704 : vector<200x1xi16> to vector<200x10240xi16>
    %gt3A_706 = arith.cmpi sgt, %convert_element_type3A_291, %gt3A_705 : vector<200x10240xi16>
    %jit3A_707 = arith.constant 1 : i16
    %jit3A_708 = arith.constant 0 : i16
    %broadcast_in_dim3A_709 = vector.broadcast %jit3A_707 : i16 to vector<200x10240xi16>
    %broadcast_in_dim3A_710 = vector.broadcast %jit3A_708 : i16 to vector<200x10240xi16>
    %select_n3A_711 = arith.select %gt3A_706, %broadcast_in_dim3A_709, %broadcast_in_dim3A_710 : vector<200x10240xi1>, vector<200x10240xi16>
    %slice3A_712 = vector.extract_strided_slice %select_n3A_711 {offsets = [0, 0], sizes = [200, 5120], strides = [1, 1]} : vector<200x10240xi16> to vector<200x5120xi16>
    %slice3A_713 = vector.extract_strided_slice %select_n3A_711 {offsets = [0, 5120], sizes = [200, 5120], strides = [1, 1]} : vector<200x10240xi16> to vector<200x5120xi16>
    %add3A_714 = arith.addi %slice3A_712, %slice3A_713 : vector<200x5120xi16>
    %slice3A_715 = vector.extract_strided_slice %add3A_714 {offsets = [0, 0], sizes = [200, 2560], strides = [1, 1]} : vector<200x5120xi16> to vector<200x2560xi16>
    %slice3A_716 = vector.extract_strided_slice %add3A_714 {offsets = [0, 2560], sizes = [200, 2560], strides = [1, 1]} : vector<200x5120xi16> to vector<200x2560xi16>
    %add3A_717 = arith.addi %slice3A_715, %slice3A_716 : vector<200x2560xi16>
    %slice3A_718 = vector.extract_strided_slice %add3A_717 {offsets = [0, 0], sizes = [200, 1280], strides = [1, 1]} : vector<200x2560xi16> to vector<200x1280xi16>
    %slice3A_719 = vector.extract_strided_slice %add3A_717 {offsets = [0, 1280], sizes = [200, 1280], strides = [1, 1]} : vector<200x2560xi16> to vector<200x1280xi16>
    %add3A_720 = arith.addi %slice3A_718, %slice3A_719 : vector<200x1280xi16>
    %slice3A_721 = vector.extract_strided_slice %add3A_720 {offsets = [0, 0], sizes = [200, 640], strides = [1, 1]} : vector<200x1280xi16> to vector<200x640xi16>
    %slice3A_722 = vector.extract_strided_slice %add3A_720 {offsets = [0, 640], sizes = [200, 640], strides = [1, 1]} : vector<200x1280xi16> to vector<200x640xi16>
    %add3A_723 = arith.addi %slice3A_721, %slice3A_722 : vector<200x640xi16>
    %slice3A_724 = vector.extract_strided_slice %add3A_723 {offsets = [0, 0], sizes = [200, 128], strides = [1, 1]} : vector<200x640xi16> to vector<200x128xi16>
    %slice3A_725 = vector.extract_strided_slice %add3A_723 {offsets = [0, 128], sizes = [200, 128], strides = [1, 1]} : vector<200x640xi16> to vector<200x128xi16>
    %add3A_726 = arith.addi %slice3A_724, %slice3A_725 : vector<200x128xi16>
    %slice3A_727 = vector.extract_strided_slice %add3A_723 {offsets = [0, 256], sizes = [200, 128], strides = [1, 1]} : vector<200x640xi16> to vector<200x128xi16>
    %add3A_728 = arith.addi %add3A_726, %slice3A_727 : vector<200x128xi16>
    %slice3A_729 = vector.extract_strided_slice %add3A_723 {offsets = [0, 384], sizes = [200, 128], strides = [1, 1]} : vector<200x640xi16> to vector<200x128xi16>
    %add3A_730 = arith.addi %add3A_728, %slice3A_729 : vector<200x128xi16>
    %slice3A_731 = vector.extract_strided_slice %add3A_723 {offsets = [0, 512], sizes = [200, 128], strides = [1, 1]} : vector<200x640xi16> to vector<200x128xi16>
    %add3A_732 = arith.addi %add3A_730, %slice3A_731 : vector<200x128xi16>
    %convert_element_type3A_733 = arith.extsi %add3A_732 : vector<200x128xi16> to vector<200x128xi32>
    %reduce_sum3A_734 = arith.constant dense<0> : vector<200xi32>
    %reduce_sum3A_735 = vector.multi_reduction <add>, %convert_element_type3A_733, %reduce_sum3A_734 [1] : vector<200x128xi32> to vector<200xi32>
    %broadcast_in_dim3A_736 = vector.shape_cast %reduce_sum3A_735 : vector<200xi32> to vector<200x1xi32>
    %ge3A_737 = arith.constant 32 : i32
    %ge3A_738 = vector.broadcast %ge3A_737 : i32 to vector<200x1xi32>
    %ge3A_739 = arith.cmpi sge, %broadcast_in_dim3A_736, %ge3A_738 : vector<200x1xi32>
    %select_n3A_740 = arith.select %ge3A_739, %add3A_703, %select_n3A_696 : vector<200x1xi1>, vector<200x1xi32>
    %select_n3A_741 = arith.select %ge3A_739, %select_n3A_697, %add3A_703 : vector<200x1xi1>, vector<200x1xi32>
    %select_n3A_742 = arith.select %ge3A_739, %select_n3A_698, %broadcast_in_dim3A_736 : vector<200x1xi1>, vector<200x1xi32>
    %sub3A_743 = arith.subi %select_n3A_741, %select_n3A_740 : vector<200x1xi32>
    %div3A_744 = arith.constant 2 : i32
    %div3A_745 = vector.broadcast %div3A_744 : i32 to vector<200x1xi32>
    %div3A_746 = arith.divsi %sub3A_743, %div3A_745 : vector<200x1xi32>
    %add3A_747 = arith.addi %select_n3A_740, %div3A_746 : vector<200x1xi32>
    %convert_element_type3A_748 = arith.trunci %add3A_747 : vector<200x1xi32> to vector<200x1xi16>
    %gt3A_749 = vector.broadcast %convert_element_type3A_748 : vector<200x1xi16> to vector<200x10240xi16>
    %gt3A_750 = arith.cmpi sgt, %convert_element_type3A_291, %gt3A_749 : vector<200x10240xi16>
    %jit3A_751 = arith.constant 1 : i16
    %jit3A_752 = arith.constant 0 : i16
    %broadcast_in_dim3A_753 = vector.broadcast %jit3A_751 : i16 to vector<200x10240xi16>
    %broadcast_in_dim3A_754 = vector.broadcast %jit3A_752 : i16 to vector<200x10240xi16>
    %select_n3A_755 = arith.select %gt3A_750, %broadcast_in_dim3A_753, %broadcast_in_dim3A_754 : vector<200x10240xi1>, vector<200x10240xi16>
    %slice3A_756 = vector.extract_strided_slice %select_n3A_755 {offsets = [0, 0], sizes = [200, 5120], strides = [1, 1]} : vector<200x10240xi16> to vector<200x5120xi16>
    %slice3A_757 = vector.extract_strided_slice %select_n3A_755 {offsets = [0, 5120], sizes = [200, 5120], strides = [1, 1]} : vector<200x10240xi16> to vector<200x5120xi16>
    %add3A_758 = arith.addi %slice3A_756, %slice3A_757 : vector<200x5120xi16>
    %slice3A_759 = vector.extract_strided_slice %add3A_758 {offsets = [0, 0], sizes = [200, 2560], strides = [1, 1]} : vector<200x5120xi16> to vector<200x2560xi16>
    %slice3A_760 = vector.extract_strided_slice %add3A_758 {offsets = [0, 2560], sizes = [200, 2560], strides = [1, 1]} : vector<200x5120xi16> to vector<200x2560xi16>
    %add3A_761 = arith.addi %slice3A_759, %slice3A_760 : vector<200x2560xi16>
    %slice3A_762 = vector.extract_strided_slice %add3A_761 {offsets = [0, 0], sizes = [200, 1280], strides = [1, 1]} : vector<200x2560xi16> to vector<200x1280xi16>
    %slice3A_763 = vector.extract_strided_slice %add3A_761 {offsets = [0, 1280], sizes = [200, 1280], strides = [1, 1]} : vector<200x2560xi16> to vector<200x1280xi16>
    %add3A_764 = arith.addi %slice3A_762, %slice3A_763 : vector<200x1280xi16>
    %slice3A_765 = vector.extract_strided_slice %add3A_764 {offsets = [0, 0], sizes = [200, 640], strides = [1, 1]} : vector<200x1280xi16> to vector<200x640xi16>
    %slice3A_766 = vector.extract_strided_slice %add3A_764 {offsets = [0, 640], sizes = [200, 640], strides = [1, 1]} : vector<200x1280xi16> to vector<200x640xi16>
    %add3A_767 = arith.addi %slice3A_765, %slice3A_766 : vector<200x640xi16>
    %slice3A_768 = vector.extract_strided_slice %add3A_767 {offsets = [0, 0], sizes = [200, 128], strides = [1, 1]} : vector<200x640xi16> to vector<200x128xi16>
    %slice3A_769 = vector.extract_strided_slice %add3A_767 {offsets = [0, 128], sizes = [200, 128], strides = [1, 1]} : vector<200x640xi16> to vector<200x128xi16>
    %add3A_770 = arith.addi %slice3A_768, %slice3A_769 : vector<200x128xi16>
    %slice3A_771 = vector.extract_strided_slice %add3A_767 {offsets = [0, 256], sizes = [200, 128], strides = [1, 1]} : vector<200x640xi16> to vector<200x128xi16>
    %add3A_772 = arith.addi %add3A_770, %slice3A_771 : vector<200x128xi16>
    %slice3A_773 = vector.extract_strided_slice %add3A_767 {offsets = [0, 384], sizes = [200, 128], strides = [1, 1]} : vector<200x640xi16> to vector<200x128xi16>
    %add3A_774 = arith.addi %add3A_772, %slice3A_773 : vector<200x128xi16>
    %slice3A_775 = vector.extract_strided_slice %add3A_767 {offsets = [0, 512], sizes = [200, 128], strides = [1, 1]} : vector<200x640xi16> to vector<200x128xi16>
    %add3A_776 = arith.addi %add3A_774, %slice3A_775 : vector<200x128xi16>
    %convert_element_type3A_777 = arith.extsi %add3A_776 : vector<200x128xi16> to vector<200x128xi32>
    %reduce_sum3A_778 = arith.constant dense<0> : vector<200xi32>
    %reduce_sum3A_779 = vector.multi_reduction <add>, %convert_element_type3A_777, %reduce_sum3A_778 [1] : vector<200x128xi32> to vector<200xi32>
    %broadcast_in_dim3A_780 = vector.shape_cast %reduce_sum3A_779 : vector<200xi32> to vector<200x1xi32>
    %ge3A_781 = arith.constant 32 : i32
    %ge3A_782 = vector.broadcast %ge3A_781 : i32 to vector<200x1xi32>
    %ge3A_783 = arith.cmpi sge, %broadcast_in_dim3A_780, %ge3A_782 : vector<200x1xi32>
    %select_n3A_784 = arith.select %ge3A_783, %select_n3A_741, %add3A_747 : vector<200x1xi1>, vector<200x1xi32>
    %select_n3A_785 = arith.select %ge3A_783, %select_n3A_742, %broadcast_in_dim3A_780 : vector<200x1xi1>, vector<200x1xi32>
    %eq3A = arith.constant 2047 : i32
    %eq3A_786 = vector.broadcast %eq3A : i32 to vector<200x1xi32>
    %eq3A_787 = arith.cmpi eq, %select_n3A_784, %eq3A_786 : vector<200x1xi32>
    %add3A_788 = arith.addi %sub3A_284, %select_n3A_784 : vector<200x1xi32>
    %add3A_789 = arith.constant 2046 : i32
    %add3A_790 = vector.broadcast %add3A_789 : i32 to vector<200x1xi32>
    %add3A_791 = arith.addi %sub3A_284, %add3A_790 : vector<200x1xi32>
    %sub3A_792 = arith.constant 1 : i32
    %sub3A_793 = vector.broadcast %sub3A_792 : i32 to vector<200x1xi32>
    %sub3A_794 = arith.subi %add3A_788, %sub3A_793 : vector<200x1xi32>
    %select_n3A_795 = arith.select %eq3A_787, %add3A_791, %sub3A_794 : vector<200x1xi1>, vector<200x1xi32>
    %select_n3A_796 = arith.select %eq3A_787, %broadcast_in_dim3A, %add3A_788 : vector<200x1xi1>, vector<200x1xi32>
    %jit3A_797 = arith.constant 0 : i32
    %broadcast_in_dim3A_798 = vector.broadcast %jit3A_797 : i32 to vector<200x1xi32>
    %select_n3A_799 = arith.select %eq3A_787, %broadcast_in_dim3A_798, %select_n3A_785 : vector<200x1xi1>, vector<200x1xi32>
    %while3A:3 = scf.while (%while3A_1265 = %select_n3A_795, %while3A_1266 = %select_n3A_796, %while3A_1267 = %select_n3A_799) : (vector<200x1xi32>, vector<200x1xi32>, vector<200x1xi32>) -> (vector<200x1xi32>, vector<200x1xi32>, vector<200x1xi32>) {
      %sub3A_1268 = arith.subi %while3A_1266, %while3A_1265 : vector<200x1xi32>
      %gt3A_1269 = arith.constant 1 : i32
      %gt3A_1270 = vector.broadcast %gt3A_1269 : i32 to vector<200x1xi32>
      %gt3A_1271 = arith.cmpi sgt, %sub3A_1268, %gt3A_1270 : vector<200x1xi32>
      %reduce_or3A = arith.constant 1.000000e+00 : f32
      %reduce_or3A_1272 = arith.constant 0.000000e+00 : f32
      %reduce_or3A_1273 = vector.broadcast %reduce_or3A : f32 to vector<200x1xf32>
      %reduce_or3A_1274 = vector.broadcast %reduce_or3A_1272 : f32 to vector<200x1xf32>
      %reduce_or3A_1275 = arith.select %gt3A_1271, %reduce_or3A_1273, %reduce_or3A_1274 : vector<200x1xi1>, vector<200x1xf32>
      %reduce_or3A_1276 = vector.shape_cast %reduce_or3A_1275 : vector<200x1xf32> to vector<1x200x1xf32>
      %reduce_or3A_1277 = arith.constant dense<0xFF800000> : vector<1xf32>
      %reduce_or3A_1278 = vector.multi_reduction <maximumf>, %reduce_or3A_1276, %reduce_or3A_1277 [1, 2] : vector<1x200x1xf32> to vector<1xf32>
      %reduce_or3A_1279 = vector.shape_cast %reduce_or3A_1278 : vector<1xf32> to vector<1x1x1xf32>
      %reduce_or3A_1280 = vector.extract %reduce_or3A_1279[0, 0, 0] : f32 from vector<1x1x1xf32>
      %reduce_or3A_1281 = arith.constant 0.000000e+00 : f32
      %reduce_or3A_1282 = arith.cmpf ogt, %reduce_or3A_1280, %reduce_or3A_1281 : f32
      scf.condition(%reduce_or3A_1282) %while3A_1265, %while3A_1266, %while3A_1267 : vector<200x1xi32>, vector<200x1xi32>, vector<200x1xi32>
    } do {
    ^bb0(%while3A_1265: vector<200x1xi32>, %while3A_1266: vector<200x1xi32>, %while3A_1267: vector<200x1xi32>):
      %sub3A_1268 = arith.subi %while3A_1266, %while3A_1265 : vector<200x1xi32>
      %div3A_1269 = arith.constant 2 : i32
      %div3A_1270 = vector.broadcast %div3A_1269 : i32 to vector<200x1xi32>
      %div3A_1271 = arith.divsi %sub3A_1268, %div3A_1270 : vector<200x1xi32>
      %add3A_1272 = arith.addi %while3A_1265, %div3A_1271 : vector<200x1xi32>
      %gt3A_1273 = vector.broadcast %add3A_1272 : vector<200x1xi32> to vector<200x10240xi32>
      %gt3A_1274 = arith.cmpi sgt, %bitcast_convert_type3A, %gt3A_1273 : vector<200x10240xi32>
      %convert_element_type3A_1275 = arith.extui %gt3A_1274 : vector<200x10240xi1> to vector<200x10240xi32>
      %reduce_sum3A_1276 = arith.constant dense<0> : vector<200xi32>
      %reduce_sum3A_1277 = vector.multi_reduction <add>, %convert_element_type3A_1275, %reduce_sum3A_1276 [1] : vector<200x10240xi32> to vector<200xi32>
      %broadcast_in_dim3A_1278 = vector.shape_cast %reduce_sum3A_1277 : vector<200xi32> to vector<200x1xi32>
      %ge3A_1279 = arith.constant 32 : i32
      %ge3A_1280 = vector.broadcast %ge3A_1279 : i32 to vector<200x1xi32>
      %ge3A_1281 = arith.cmpi sge, %broadcast_in_dim3A_1278, %ge3A_1280 : vector<200x1xi32>
      %select_n3A_1282 = arith.select %ge3A_1281, %add3A_1272, %while3A_1265 : vector<200x1xi1>, vector<200x1xi32>
      %select_n3A_1283 = arith.select %ge3A_1281, %while3A_1266, %add3A_1272 : vector<200x1xi1>, vector<200x1xi32>
      %select_n3A_1284 = arith.select %ge3A_1281, %while3A_1267, %broadcast_in_dim3A_1278 : vector<200x1xi1>, vector<200x1xi32>
      scf.yield %select_n3A_1282, %select_n3A_1283, %select_n3A_1284 : vector<200x1xi32>, vector<200x1xi32>, vector<200x1xi32>
    }
    %sub3A_800 = arith.constant 32 : i32
    %sub3A_801 = vector.broadcast %sub3A_800 : i32 to vector<200x1xi32>
    %sub3A_802 = arith.subi %sub3A_801, %while3A#2 : vector<200x1xi32>
    %eq3A_803 = vector.broadcast %while3A#1 : vector<200x1xi32> to vector<200x10240xi32>
    %eq3A_804 = arith.cmpi eq, %bitcast_convert_type3A, %eq3A_803 : vector<200x10240xi32>
    %sub3A_805 = vector.broadcast %while3A#1 : vector<200x1xi32> to vector<200x10240xi32>
    %sub3A_806 = arith.subi %bitcast_convert_type3A, %sub3A_805 : vector<200x10240xi32>
    %add3A_807 = arith.constant 1 : i32
    %add3A_808 = vector.broadcast %add3A_807 : i32 to vector<200x10240xi32>
    %add3A_809 = arith.addi %sub3A_806, %add3A_808 : vector<200x10240xi32>
    %jit3A_810 = arith.constant 0 : i32
    %jit3A_811 = arith.constant 1 : i32
    %max3A_812 = vector.broadcast %jit3A_810 : i32 to vector<200x10240xi32>
    %max3A_813 = arith.maxsi %max3A_812, %add3A_809 : vector<200x10240xi32>
    %min3A_814 = vector.broadcast %jit3A_811 : i32 to vector<200x10240xi32>
    %min3A_815 = arith.minsi %min3A_814, %max3A_813 : vector<200x10240xi32>
    %sub3A_816 = vector.broadcast %while3A#1 : vector<200x1xi32> to vector<200x10240xi32>
    %sub3A_817 = arith.subi %bitcast_convert_type3A, %sub3A_816 : vector<200x10240xi32>
    %jit3A_818 = arith.constant 0 : i32
    %jit3A_819 = arith.constant 1 : i32
    %max3A_820 = vector.broadcast %jit3A_818 : i32 to vector<200x10240xi32>
    %max3A_821 = arith.maxsi %max3A_820, %sub3A_817 : vector<200x10240xi32>
    %min3A_822 = vector.broadcast %jit3A_819 : i32 to vector<200x10240xi32>
    %min3A_823 = arith.minsi %min3A_822, %max3A_821 : vector<200x10240xi32>
    %sub3A_824 = arith.subi %min3A_815, %min3A_823 : vector<200x10240xi32>
    %convert_element_type3A_825 = arith.trunci %sub3A_824 : vector<200x10240xi32> to vector<200x10240xi16>
    %iota3A = tpu.iota {dimensions = array<i32: 1>} : vector<200x10240xi16>
    %convert_element_type3A_826 = arith.extui %eq3A_804 : vector<200x10240xi1> to vector<200x10240xi32>
    %convert_element_type3A_827 = arith.sitofp %convert_element_type3A_826 : vector<200x10240xi32> to vector<200x10240xf32>
    %iota3A_828 = tpu.iota {dimensions = array<i32: 0>} : vector<10240x80xi32>
    %iota3A_829 = tpu.iota {dimensions = array<i32: 1>} : vector<10240x80xi32>
    %div3A_830 = arith.constant 128 : i32
    %div3A_831 = vector.broadcast %div3A_830 : i32 to vector<10240x80xi32>
    %div3A_832 = arith.divsi %iota3A_828, %div3A_831 : vector<10240x80xi32>
    %eq3A_833 = arith.cmpi eq, %div3A_832, %iota3A_829 : vector<10240x80xi32>
    %convert_element_type3A_834 = arith.extui %eq3A_833 : vector<10240x80xi1> to vector<10240x80xi32>
    %convert_element_type3A_835 = arith.sitofp %convert_element_type3A_834 : vector<10240x80xi32> to vector<10240x80xf32>
    %dot_general3A_836 = arith.constant dense<0.000000e+00> : vector<200x80xf32>
    %dot_general3A_837 = tpu.matmul %convert_element_type3A_827, %convert_element_type3A_835, %dot_general3A_836 {dimension_numbers = #tpu.dot_dimension_numbers<[1], [0], [0], [1], [0, 0, 1, 1], [], []>, transpose_lhs_hint = false} : vector<200x10240xf32>, vector<10240x80xf32>, vector<200x80xf32> -> vector<200x80xf32>
    %iota3A_838 = tpu.iota {dimensions = array<i32: 1>} : vector<200x80xi32>
    %convert_element_type3A_839 = arith.sitofp %sub3A_802 : vector<200x1xi32> to vector<200x1xf32>
    %broadcast_in_dim3A_840 = arith.constant 0 : i32
    %broadcast_in_dim3A_841 = vector.broadcast %broadcast_in_dim3A_840 : i32 to vector<200x1xi32>
    %broadcast_in_dim3A_842 = arith.constant 80 : i32
    %broadcast_in_dim3A_843 = vector.broadcast %broadcast_in_dim3A_842 : i32 to vector<200x1xi32>
    %sub3A_844 = arith.subi %broadcast_in_dim3A_843, %broadcast_in_dim3A_841 : vector<200x1xi32>
    %div3A_845 = arith.constant 2 : i32
    %div3A_846 = vector.broadcast %div3A_845 : i32 to vector<200x1xi32>
    %div3A_847 = arith.divsi %sub3A_844, %div3A_846 : vector<200x1xi32>
    %add3A_848 = arith.addi %broadcast_in_dim3A_841, %div3A_847 : vector<200x1xi32>
    %lt3A = vector.broadcast %add3A_848 : vector<200x1xi32> to vector<200x80xi32>
    %lt3A_849 = arith.cmpi slt, %iota3A_838, %lt3A : vector<200x80xi32>
    %jit3A_850 = arith.constant 0.000000e+00 : f32
    %broadcast_in_dim3A_851 = vector.broadcast %jit3A_850 : f32 to vector<200x80xf32>
    %select_n3A_852 = arith.select %lt3A_849, %dot_general3A_837, %broadcast_in_dim3A_851 : vector<200x80xi1>, vector<200x80xf32>
    %reduce_sum3A_853 = arith.constant dense<0.000000e+00> : vector<200xf32>
    %reduce_sum3A_854 = vector.multi_reduction <add>, %select_n3A_852, %reduce_sum3A_853 [1] : vector<200x80xf32> to vector<200xf32>
    %broadcast_in_dim3A_855 = vector.shape_cast %reduce_sum3A_854 : vector<200xf32> to vector<200x1xf32>
    %ge3A_856 = arith.cmpf oge, %broadcast_in_dim3A_855, %convert_element_type3A_839 : vector<200x1xf32>
    %select_n3A_857 = arith.select %ge3A_856, %broadcast_in_dim3A_841, %add3A_848 : vector<200x1xi1>, vector<200x1xi32>
    %select_n3A_858 = arith.select %ge3A_856, %add3A_848, %broadcast_in_dim3A_843 : vector<200x1xi1>, vector<200x1xi32>
    %sub3A_859 = arith.subi %select_n3A_858, %select_n3A_857 : vector<200x1xi32>
    %div3A_860 = arith.constant 2 : i32
    %div3A_861 = vector.broadcast %div3A_860 : i32 to vector<200x1xi32>
    %div3A_862 = arith.divsi %sub3A_859, %div3A_861 : vector<200x1xi32>
    %add3A_863 = arith.addi %select_n3A_857, %div3A_862 : vector<200x1xi32>
    %lt3A_864 = vector.broadcast %add3A_863 : vector<200x1xi32> to vector<200x80xi32>
    %lt3A_865 = arith.cmpi slt, %iota3A_838, %lt3A_864 : vector<200x80xi32>
    %jit3A_866 = arith.constant 0.000000e+00 : f32
    %broadcast_in_dim3A_867 = vector.broadcast %jit3A_866 : f32 to vector<200x80xf32>
    %select_n3A_868 = arith.select %lt3A_865, %dot_general3A_837, %broadcast_in_dim3A_867 : vector<200x80xi1>, vector<200x80xf32>
    %reduce_sum3A_869 = arith.constant dense<0.000000e+00> : vector<200xf32>
    %reduce_sum3A_870 = vector.multi_reduction <add>, %select_n3A_868, %reduce_sum3A_869 [1] : vector<200x80xf32> to vector<200xf32>
    %broadcast_in_dim3A_871 = vector.shape_cast %reduce_sum3A_870 : vector<200xf32> to vector<200x1xf32>
    %ge3A_872 = arith.cmpf oge, %broadcast_in_dim3A_871, %convert_element_type3A_839 : vector<200x1xf32>
    %select_n3A_873 = arith.select %ge3A_872, %select_n3A_857, %add3A_863 : vector<200x1xi1>, vector<200x1xi32>
    %select_n3A_874 = arith.select %ge3A_872, %add3A_863, %select_n3A_858 : vector<200x1xi1>, vector<200x1xi32>
    %sub3A_875 = arith.subi %select_n3A_874, %select_n3A_873 : vector<200x1xi32>
    %div3A_876 = arith.constant 2 : i32
    %div3A_877 = vector.broadcast %div3A_876 : i32 to vector<200x1xi32>
    %div3A_878 = arith.divsi %sub3A_875, %div3A_877 : vector<200x1xi32>
    %add3A_879 = arith.addi %select_n3A_873, %div3A_878 : vector<200x1xi32>
    %lt3A_880 = vector.broadcast %add3A_879 : vector<200x1xi32> to vector<200x80xi32>
    %lt3A_881 = arith.cmpi slt, %iota3A_838, %lt3A_880 : vector<200x80xi32>
    %jit3A_882 = arith.constant 0.000000e+00 : f32
    %broadcast_in_dim3A_883 = vector.broadcast %jit3A_882 : f32 to vector<200x80xf32>
    %select_n3A_884 = arith.select %lt3A_881, %dot_general3A_837, %broadcast_in_dim3A_883 : vector<200x80xi1>, vector<200x80xf32>
    %reduce_sum3A_885 = arith.constant dense<0.000000e+00> : vector<200xf32>
    %reduce_sum3A_886 = vector.multi_reduction <add>, %select_n3A_884, %reduce_sum3A_885 [1] : vector<200x80xf32> to vector<200xf32>
    %broadcast_in_dim3A_887 = vector.shape_cast %reduce_sum3A_886 : vector<200xf32> to vector<200x1xf32>
    %ge3A_888 = arith.cmpf oge, %broadcast_in_dim3A_887, %convert_element_type3A_839 : vector<200x1xf32>
    %select_n3A_889 = arith.select %ge3A_888, %select_n3A_873, %add3A_879 : vector<200x1xi1>, vector<200x1xi32>
    %select_n3A_890 = arith.select %ge3A_888, %add3A_879, %select_n3A_874 : vector<200x1xi1>, vector<200x1xi32>
    %sub3A_891 = arith.subi %select_n3A_890, %select_n3A_889 : vector<200x1xi32>
    %div3A_892 = arith.constant 2 : i32
    %div3A_893 = vector.broadcast %div3A_892 : i32 to vector<200x1xi32>
    %div3A_894 = arith.divsi %sub3A_891, %div3A_893 : vector<200x1xi32>
    %add3A_895 = arith.addi %select_n3A_889, %div3A_894 : vector<200x1xi32>
    %lt3A_896 = vector.broadcast %add3A_895 : vector<200x1xi32> to vector<200x80xi32>
    %lt3A_897 = arith.cmpi slt, %iota3A_838, %lt3A_896 : vector<200x80xi32>
    %jit3A_898 = arith.constant 0.000000e+00 : f32
    %broadcast_in_dim3A_899 = vector.broadcast %jit3A_898 : f32 to vector<200x80xf32>
    %select_n3A_900 = arith.select %lt3A_897, %dot_general3A_837, %broadcast_in_dim3A_899 : vector<200x80xi1>, vector<200x80xf32>
    %reduce_sum3A_901 = arith.constant dense<0.000000e+00> : vector<200xf32>
    %reduce_sum3A_902 = vector.multi_reduction <add>, %select_n3A_900, %reduce_sum3A_901 [1] : vector<200x80xf32> to vector<200xf32>
    %broadcast_in_dim3A_903 = vector.shape_cast %reduce_sum3A_902 : vector<200xf32> to vector<200x1xf32>
    %ge3A_904 = arith.cmpf oge, %broadcast_in_dim3A_903, %convert_element_type3A_839 : vector<200x1xf32>
    %select_n3A_905 = arith.select %ge3A_904, %select_n3A_889, %add3A_895 : vector<200x1xi1>, vector<200x1xi32>
    %select_n3A_906 = arith.select %ge3A_904, %add3A_895, %select_n3A_890 : vector<200x1xi1>, vector<200x1xi32>
    %sub3A_907 = arith.subi %select_n3A_906, %select_n3A_905 : vector<200x1xi32>
    %div3A_908 = arith.constant 2 : i32
    %div3A_909 = vector.broadcast %div3A_908 : i32 to vector<200x1xi32>
    %div3A_910 = arith.divsi %sub3A_907, %div3A_909 : vector<200x1xi32>
    %add3A_911 = arith.addi %select_n3A_905, %div3A_910 : vector<200x1xi32>
    %lt3A_912 = vector.broadcast %add3A_911 : vector<200x1xi32> to vector<200x80xi32>
    %lt3A_913 = arith.cmpi slt, %iota3A_838, %lt3A_912 : vector<200x80xi32>
    %jit3A_914 = arith.constant 0.000000e+00 : f32
    %broadcast_in_dim3A_915 = vector.broadcast %jit3A_914 : f32 to vector<200x80xf32>
    %select_n3A_916 = arith.select %lt3A_913, %dot_general3A_837, %broadcast_in_dim3A_915 : vector<200x80xi1>, vector<200x80xf32>
    %reduce_sum3A_917 = arith.constant dense<0.000000e+00> : vector<200xf32>
    %reduce_sum3A_918 = vector.multi_reduction <add>, %select_n3A_916, %reduce_sum3A_917 [1] : vector<200x80xf32> to vector<200xf32>
    %broadcast_in_dim3A_919 = vector.shape_cast %reduce_sum3A_918 : vector<200xf32> to vector<200x1xf32>
    %ge3A_920 = arith.cmpf oge, %broadcast_in_dim3A_919, %convert_element_type3A_839 : vector<200x1xf32>
    %select_n3A_921 = arith.select %ge3A_920, %select_n3A_905, %add3A_911 : vector<200x1xi1>, vector<200x1xi32>
    %select_n3A_922 = arith.select %ge3A_920, %add3A_911, %select_n3A_906 : vector<200x1xi1>, vector<200x1xi32>
    %sub3A_923 = arith.subi %select_n3A_922, %select_n3A_921 : vector<200x1xi32>
    %div3A_924 = arith.constant 2 : i32
    %div3A_925 = vector.broadcast %div3A_924 : i32 to vector<200x1xi32>
    %div3A_926 = arith.divsi %sub3A_923, %div3A_925 : vector<200x1xi32>
    %add3A_927 = arith.addi %select_n3A_921, %div3A_926 : vector<200x1xi32>
    %lt3A_928 = vector.broadcast %add3A_927 : vector<200x1xi32> to vector<200x80xi32>
    %lt3A_929 = arith.cmpi slt, %iota3A_838, %lt3A_928 : vector<200x80xi32>
    %jit3A_930 = arith.constant 0.000000e+00 : f32
    %broadcast_in_dim3A_931 = vector.broadcast %jit3A_930 : f32 to vector<200x80xf32>
    %select_n3A_932 = arith.select %lt3A_929, %dot_general3A_837, %broadcast_in_dim3A_931 : vector<200x80xi1>, vector<200x80xf32>
    %reduce_sum3A_933 = arith.constant dense<0.000000e+00> : vector<200xf32>
    %reduce_sum3A_934 = vector.multi_reduction <add>, %select_n3A_932, %reduce_sum3A_933 [1] : vector<200x80xf32> to vector<200xf32>
    %broadcast_in_dim3A_935 = vector.shape_cast %reduce_sum3A_934 : vector<200xf32> to vector<200x1xf32>
    %ge3A_936 = arith.cmpf oge, %broadcast_in_dim3A_935, %convert_element_type3A_839 : vector<200x1xf32>
    %select_n3A_937 = arith.select %ge3A_936, %select_n3A_921, %add3A_927 : vector<200x1xi1>, vector<200x1xi32>
    %select_n3A_938 = arith.select %ge3A_936, %add3A_927, %select_n3A_922 : vector<200x1xi1>, vector<200x1xi32>
    %sub3A_939 = arith.subi %select_n3A_938, %select_n3A_937 : vector<200x1xi32>
    %div3A_940 = arith.constant 2 : i32
    %div3A_941 = vector.broadcast %div3A_940 : i32 to vector<200x1xi32>
    %div3A_942 = arith.divsi %sub3A_939, %div3A_941 : vector<200x1xi32>
    %add3A_943 = arith.addi %select_n3A_937, %div3A_942 : vector<200x1xi32>
    %lt3A_944 = vector.broadcast %add3A_943 : vector<200x1xi32> to vector<200x80xi32>
    %lt3A_945 = arith.cmpi slt, %iota3A_838, %lt3A_944 : vector<200x80xi32>
    %jit3A_946 = arith.constant 0.000000e+00 : f32
    %broadcast_in_dim3A_947 = vector.broadcast %jit3A_946 : f32 to vector<200x80xf32>
    %select_n3A_948 = arith.select %lt3A_945, %dot_general3A_837, %broadcast_in_dim3A_947 : vector<200x80xi1>, vector<200x80xf32>
    %reduce_sum3A_949 = arith.constant dense<0.000000e+00> : vector<200xf32>
    %reduce_sum3A_950 = vector.multi_reduction <add>, %select_n3A_948, %reduce_sum3A_949 [1] : vector<200x80xf32> to vector<200xf32>
    %broadcast_in_dim3A_951 = vector.shape_cast %reduce_sum3A_950 : vector<200xf32> to vector<200x1xf32>
    %ge3A_952 = arith.cmpf oge, %broadcast_in_dim3A_951, %convert_element_type3A_839 : vector<200x1xf32>
    %select_n3A_953 = arith.select %ge3A_952, %select_n3A_937, %add3A_943 : vector<200x1xi1>, vector<200x1xi32>
    %select_n3A_954 = arith.select %ge3A_952, %add3A_943, %select_n3A_938 : vector<200x1xi1>, vector<200x1xi32>
    %sub3A_955 = arith.subi %select_n3A_954, %select_n3A_953 : vector<200x1xi32>
    %div3A_956 = arith.constant 2 : i32
    %div3A_957 = vector.broadcast %div3A_956 : i32 to vector<200x1xi32>
    %div3A_958 = arith.divsi %sub3A_955, %div3A_957 : vector<200x1xi32>
    %add3A_959 = arith.addi %select_n3A_953, %div3A_958 : vector<200x1xi32>
    %lt3A_960 = vector.broadcast %add3A_959 : vector<200x1xi32> to vector<200x80xi32>
    %lt3A_961 = arith.cmpi slt, %iota3A_838, %lt3A_960 : vector<200x80xi32>
    %jit3A_962 = arith.constant 0.000000e+00 : f32
    %broadcast_in_dim3A_963 = vector.broadcast %jit3A_962 : f32 to vector<200x80xf32>
    %select_n3A_964 = arith.select %lt3A_961, %dot_general3A_837, %broadcast_in_dim3A_963 : vector<200x80xi1>, vector<200x80xf32>
    %reduce_sum3A_965 = arith.constant dense<0.000000e+00> : vector<200xf32>
    %reduce_sum3A_966 = vector.multi_reduction <add>, %select_n3A_964, %reduce_sum3A_965 [1] : vector<200x80xf32> to vector<200xf32>
    %broadcast_in_dim3A_967 = vector.shape_cast %reduce_sum3A_966 : vector<200xf32> to vector<200x1xf32>
    %ge3A_968 = arith.cmpf oge, %broadcast_in_dim3A_967, %convert_element_type3A_839 : vector<200x1xf32>
    %select_n3A_969 = arith.select %ge3A_968, %add3A_959, %select_n3A_954 : vector<200x1xi1>, vector<200x1xi32>
    %sub3A_970 = arith.constant 1 : i32
    %sub3A_971 = vector.broadcast %sub3A_970 : i32 to vector<200x1xi32>
    %sub3A_972 = arith.subi %select_n3A_969, %sub3A_971 : vector<200x1xi32>
    %mul3A_973 = arith.constant 128 : i32
    %mul3A_974 = vector.broadcast %mul3A_973 : i32 to vector<200x1xi32>
    %mul3A_975 = arith.muli %sub3A_972, %mul3A_974 : vector<200x1xi32>
    %mul3A_976 = arith.constant 128 : i32
    %mul3A_977 = vector.broadcast %mul3A_976 : i32 to vector<200x1xi32>
    %mul3A_978 = arith.muli %sub3A_972, %mul3A_977 : vector<200x1xi32>
    %add3A_979 = arith.constant 128 : i32
    %add3A_980 = vector.broadcast %add3A_979 : i32 to vector<200x1xi32>
    %add3A_981 = arith.addi %mul3A_978, %add3A_980 : vector<200x1xi32>
    %sub3A_982 = arith.subi %add3A_981, %mul3A_975 : vector<200x1xi32>
    %div3A_983 = arith.constant 2 : i32
    %div3A_984 = vector.broadcast %div3A_983 : i32 to vector<200x1xi32>
    %div3A_985 = arith.divsi %sub3A_982, %div3A_984 : vector<200x1xi32>
    %add3A_986 = arith.addi %mul3A_975, %div3A_985 : vector<200x1xi32>
    %convert_element_type3A_987 = arith.trunci %add3A_986 : vector<200x1xi32> to vector<200x1xi16>
    %lt3A_988 = vector.broadcast %convert_element_type3A_987 : vector<200x1xi16> to vector<200x10240xi16>
    %lt3A_989 = arith.cmpi slt, %iota3A, %lt3A_988 : vector<200x10240xi16>
    %jit3A_990 = arith.constant 0 : i16
    %broadcast_in_dim3A_991 = vector.broadcast %jit3A_990 : i16 to vector<200x10240xi16>
    %select_n3A_992 = arith.select %lt3A_989, %convert_element_type3A_825, %broadcast_in_dim3A_991 : vector<200x10240xi1>, vector<200x10240xi16>
    %slice3A_993 = vector.extract_strided_slice %select_n3A_992 {offsets = [0, 0], sizes = [200, 5120], strides = [1, 1]} : vector<200x10240xi16> to vector<200x5120xi16>
    %slice3A_994 = vector.extract_strided_slice %select_n3A_992 {offsets = [0, 5120], sizes = [200, 5120], strides = [1, 1]} : vector<200x10240xi16> to vector<200x5120xi16>
    %add3A_995 = arith.addi %slice3A_993, %slice3A_994 : vector<200x5120xi16>
    %slice3A_996 = vector.extract_strided_slice %add3A_995 {offsets = [0, 0], sizes = [200, 2560], strides = [1, 1]} : vector<200x5120xi16> to vector<200x2560xi16>
    %slice3A_997 = vector.extract_strided_slice %add3A_995 {offsets = [0, 2560], sizes = [200, 2560], strides = [1, 1]} : vector<200x5120xi16> to vector<200x2560xi16>
    %add3A_998 = arith.addi %slice3A_996, %slice3A_997 : vector<200x2560xi16>
    %slice3A_999 = vector.extract_strided_slice %add3A_998 {offsets = [0, 0], sizes = [200, 1280], strides = [1, 1]} : vector<200x2560xi16> to vector<200x1280xi16>
    %slice3A_1000 = vector.extract_strided_slice %add3A_998 {offsets = [0, 1280], sizes = [200, 1280], strides = [1, 1]} : vector<200x2560xi16> to vector<200x1280xi16>
    %add3A_1001 = arith.addi %slice3A_999, %slice3A_1000 : vector<200x1280xi16>
    %slice3A_1002 = vector.extract_strided_slice %add3A_1001 {offsets = [0, 0], sizes = [200, 640], strides = [1, 1]} : vector<200x1280xi16> to vector<200x640xi16>
    %slice3A_1003 = vector.extract_strided_slice %add3A_1001 {offsets = [0, 640], sizes = [200, 640], strides = [1, 1]} : vector<200x1280xi16> to vector<200x640xi16>
    %add3A_1004 = arith.addi %slice3A_1002, %slice3A_1003 : vector<200x640xi16>
    %slice3A_1005 = vector.extract_strided_slice %add3A_1004 {offsets = [0, 0], sizes = [200, 128], strides = [1, 1]} : vector<200x640xi16> to vector<200x128xi16>
    %slice3A_1006 = vector.extract_strided_slice %add3A_1004 {offsets = [0, 128], sizes = [200, 128], strides = [1, 1]} : vector<200x640xi16> to vector<200x128xi16>
    %add3A_1007 = arith.addi %slice3A_1005, %slice3A_1006 : vector<200x128xi16>
    %slice3A_1008 = vector.extract_strided_slice %add3A_1004 {offsets = [0, 256], sizes = [200, 128], strides = [1, 1]} : vector<200x640xi16> to vector<200x128xi16>
    %add3A_1009 = arith.addi %add3A_1007, %slice3A_1008 : vector<200x128xi16>
    %slice3A_1010 = vector.extract_strided_slice %add3A_1004 {offsets = [0, 384], sizes = [200, 128], strides = [1, 1]} : vector<200x640xi16> to vector<200x128xi16>
    %add3A_1011 = arith.addi %add3A_1009, %slice3A_1010 : vector<200x128xi16>
    %slice3A_1012 = vector.extract_strided_slice %add3A_1004 {offsets = [0, 512], sizes = [200, 128], strides = [1, 1]} : vector<200x640xi16> to vector<200x128xi16>
    %add3A_1013 = arith.addi %add3A_1011, %slice3A_1012 : vector<200x128xi16>
    %convert_element_type3A_1014 = arith.extsi %add3A_1013 : vector<200x128xi16> to vector<200x128xi32>
    %reduce_sum3A_1015 = arith.constant dense<0> : vector<200xi32>
    %reduce_sum3A_1016 = vector.multi_reduction <add>, %convert_element_type3A_1014, %reduce_sum3A_1015 [1] : vector<200x128xi32> to vector<200xi32>
    %broadcast_in_dim3A_1017 = vector.shape_cast %reduce_sum3A_1016 : vector<200xi32> to vector<200x1xi32>
    %ge3A_1018 = arith.cmpi sge, %broadcast_in_dim3A_1017, %sub3A_802 : vector<200x1xi32>
    %select_n3A_1019 = arith.select %ge3A_1018, %mul3A_975, %add3A_986 : vector<200x1xi1>, vector<200x1xi32>
    %select_n3A_1020 = arith.select %ge3A_1018, %add3A_986, %add3A_981 : vector<200x1xi1>, vector<200x1xi32>
    %sub3A_1021 = arith.subi %select_n3A_1020, %select_n3A_1019 : vector<200x1xi32>
    %div3A_1022 = arith.constant 2 : i32
    %div3A_1023 = vector.broadcast %div3A_1022 : i32 to vector<200x1xi32>
    %div3A_1024 = arith.divsi %sub3A_1021, %div3A_1023 : vector<200x1xi32>
    %add3A_1025 = arith.addi %select_n3A_1019, %div3A_1024 : vector<200x1xi32>
    %convert_element_type3A_1026 = arith.trunci %add3A_1025 : vector<200x1xi32> to vector<200x1xi16>
    %lt3A_1027 = vector.broadcast %convert_element_type3A_1026 : vector<200x1xi16> to vector<200x10240xi16>
    %lt3A_1028 = arith.cmpi slt, %iota3A, %lt3A_1027 : vector<200x10240xi16>
    %jit3A_1029 = arith.constant 0 : i16
    %broadcast_in_dim3A_1030 = vector.broadcast %jit3A_1029 : i16 to vector<200x10240xi16>
    %select_n3A_1031 = arith.select %lt3A_1028, %convert_element_type3A_825, %broadcast_in_dim3A_1030 : vector<200x10240xi1>, vector<200x10240xi16>
    %slice3A_1032 = vector.extract_strided_slice %select_n3A_1031 {offsets = [0, 0], sizes = [200, 5120], strides = [1, 1]} : vector<200x10240xi16> to vector<200x5120xi16>
    %slice3A_1033 = vector.extract_strided_slice %select_n3A_1031 {offsets = [0, 5120], sizes = [200, 5120], strides = [1, 1]} : vector<200x10240xi16> to vector<200x5120xi16>
    %add3A_1034 = arith.addi %slice3A_1032, %slice3A_1033 : vector<200x5120xi16>
    %slice3A_1035 = vector.extract_strided_slice %add3A_1034 {offsets = [0, 0], sizes = [200, 2560], strides = [1, 1]} : vector<200x5120xi16> to vector<200x2560xi16>
    %slice3A_1036 = vector.extract_strided_slice %add3A_1034 {offsets = [0, 2560], sizes = [200, 2560], strides = [1, 1]} : vector<200x5120xi16> to vector<200x2560xi16>
    %add3A_1037 = arith.addi %slice3A_1035, %slice3A_1036 : vector<200x2560xi16>
    %slice3A_1038 = vector.extract_strided_slice %add3A_1037 {offsets = [0, 0], sizes = [200, 1280], strides = [1, 1]} : vector<200x2560xi16> to vector<200x1280xi16>
    %slice3A_1039 = vector.extract_strided_slice %add3A_1037 {offsets = [0, 1280], sizes = [200, 1280], strides = [1, 1]} : vector<200x2560xi16> to vector<200x1280xi16>
    %add3A_1040 = arith.addi %slice3A_1038, %slice3A_1039 : vector<200x1280xi16>
    %slice3A_1041 = vector.extract_strided_slice %add3A_1040 {offsets = [0, 0], sizes = [200, 640], strides = [1, 1]} : vector<200x1280xi16> to vector<200x640xi16>
    %slice3A_1042 = vector.extract_strided_slice %add3A_1040 {offsets = [0, 640], sizes = [200, 640], strides = [1, 1]} : vector<200x1280xi16> to vector<200x640xi16>
    %add3A_1043 = arith.addi %slice3A_1041, %slice3A_1042 : vector<200x640xi16>
    %slice3A_1044 = vector.extract_strided_slice %add3A_1043 {offsets = [0, 0], sizes = [200, 128], strides = [1, 1]} : vector<200x640xi16> to vector<200x128xi16>
    %slice3A_1045 = vector.extract_strided_slice %add3A_1043 {offsets = [0, 128], sizes = [200, 128], strides = [1, 1]} : vector<200x640xi16> to vector<200x128xi16>
    %add3A_1046 = arith.addi %slice3A_1044, %slice3A_1045 : vector<200x128xi16>
    %slice3A_1047 = vector.extract_strided_slice %add3A_1043 {offsets = [0, 256], sizes = [200, 128], strides = [1, 1]} : vector<200x640xi16> to vector<200x128xi16>
    %add3A_1048 = arith.addi %add3A_1046, %slice3A_1047 : vector<200x128xi16>
    %slice3A_1049 = vector.extract_strided_slice %add3A_1043 {offsets = [0, 384], sizes = [200, 128], strides = [1, 1]} : vector<200x640xi16> to vector<200x128xi16>
    %add3A_1050 = arith.addi %add3A_1048, %slice3A_1049 : vector<200x128xi16>
    %slice3A_1051 = vector.extract_strided_slice %add3A_1043 {offsets = [0, 512], sizes = [200, 128], strides = [1, 1]} : vector<200x640xi16> to vector<200x128xi16>
    %add3A_1052 = arith.addi %add3A_1050, %slice3A_1051 : vector<200x128xi16>
    %convert_element_type3A_1053 = arith.extsi %add3A_1052 : vector<200x128xi16> to vector<200x128xi32>
    %reduce_sum3A_1054 = arith.constant dense<0> : vector<200xi32>
    %reduce_sum3A_1055 = vector.multi_reduction <add>, %convert_element_type3A_1053, %reduce_sum3A_1054 [1] : vector<200x128xi32> to vector<200xi32>
    %broadcast_in_dim3A_1056 = vector.shape_cast %reduce_sum3A_1055 : vector<200xi32> to vector<200x1xi32>
    %ge3A_1057 = arith.cmpi sge, %broadcast_in_dim3A_1056, %sub3A_802 : vector<200x1xi32>
    %select_n3A_1058 = arith.select %ge3A_1057, %select_n3A_1019, %add3A_1025 : vector<200x1xi1>, vector<200x1xi32>
    %select_n3A_1059 = arith.select %ge3A_1057, %add3A_1025, %select_n3A_1020 : vector<200x1xi1>, vector<200x1xi32>
    %sub3A_1060 = arith.subi %select_n3A_1059, %select_n3A_1058 : vector<200x1xi32>
    %div3A_1061 = arith.constant 2 : i32
    %div3A_1062 = vector.broadcast %div3A_1061 : i32 to vector<200x1xi32>
    %div3A_1063 = arith.divsi %sub3A_1060, %div3A_1062 : vector<200x1xi32>
    %add3A_1064 = arith.addi %select_n3A_1058, %div3A_1063 : vector<200x1xi32>
    %convert_element_type3A_1065 = arith.trunci %add3A_1064 : vector<200x1xi32> to vector<200x1xi16>
    %lt3A_1066 = vector.broadcast %convert_element_type3A_1065 : vector<200x1xi16> to vector<200x10240xi16>
    %lt3A_1067 = arith.cmpi slt, %iota3A, %lt3A_1066 : vector<200x10240xi16>
    %jit3A_1068 = arith.constant 0 : i16
    %broadcast_in_dim3A_1069 = vector.broadcast %jit3A_1068 : i16 to vector<200x10240xi16>
    %select_n3A_1070 = arith.select %lt3A_1067, %convert_element_type3A_825, %broadcast_in_dim3A_1069 : vector<200x10240xi1>, vector<200x10240xi16>
    %slice3A_1071 = vector.extract_strided_slice %select_n3A_1070 {offsets = [0, 0], sizes = [200, 5120], strides = [1, 1]} : vector<200x10240xi16> to vector<200x5120xi16>
    %slice3A_1072 = vector.extract_strided_slice %select_n3A_1070 {offsets = [0, 5120], sizes = [200, 5120], strides = [1, 1]} : vector<200x10240xi16> to vector<200x5120xi16>
    %add3A_1073 = arith.addi %slice3A_1071, %slice3A_1072 : vector<200x5120xi16>
    %slice3A_1074 = vector.extract_strided_slice %add3A_1073 {offsets = [0, 0], sizes = [200, 2560], strides = [1, 1]} : vector<200x5120xi16> to vector<200x2560xi16>
    %slice3A_1075 = vector.extract_strided_slice %add3A_1073 {offsets = [0, 2560], sizes = [200, 2560], strides = [1, 1]} : vector<200x5120xi16> to vector<200x2560xi16>
    %add3A_1076 = arith.addi %slice3A_1074, %slice3A_1075 : vector<200x2560xi16>
    %slice3A_1077 = vector.extract_strided_slice %add3A_1076 {offsets = [0, 0], sizes = [200, 1280], strides = [1, 1]} : vector<200x2560xi16> to vector<200x1280xi16>
    %slice3A_1078 = vector.extract_strided_slice %add3A_1076 {offsets = [0, 1280], sizes = [200, 1280], strides = [1, 1]} : vector<200x2560xi16> to vector<200x1280xi16>
    %add3A_1079 = arith.addi %slice3A_1077, %slice3A_1078 : vector<200x1280xi16>
    %slice3A_1080 = vector.extract_strided_slice %add3A_1079 {offsets = [0, 0], sizes = [200, 640], strides = [1, 1]} : vector<200x1280xi16> to vector<200x640xi16>
    %slice3A_1081 = vector.extract_strided_slice %add3A_1079 {offsets = [0, 640], sizes = [200, 640], strides = [1, 1]} : vector<200x1280xi16> to vector<200x640xi16>
    %add3A_1082 = arith.addi %slice3A_1080, %slice3A_1081 : vector<200x640xi16>
    %slice3A_1083 = vector.extract_strided_slice %add3A_1082 {offsets = [0, 0], sizes = [200, 128], strides = [1, 1]} : vector<200x640xi16> to vector<200x128xi16>
    %slice3A_1084 = vector.extract_strided_slice %add3A_1082 {offsets = [0, 128], sizes = [200, 128], strides = [1, 1]} : vector<200x640xi16> to vector<200x128xi16>
    %add3A_1085 = arith.addi %slice3A_1083, %slice3A_1084 : vector<200x128xi16>
    %slice3A_1086 = vector.extract_strided_slice %add3A_1082 {offsets = [0, 256], sizes = [200, 128], strides = [1, 1]} : vector<200x640xi16> to vector<200x128xi16>
    %add3A_1087 = arith.addi %add3A_1085, %slice3A_1086 : vector<200x128xi16>
    %slice3A_1088 = vector.extract_strided_slice %add3A_1082 {offsets = [0, 384], sizes = [200, 128], strides = [1, 1]} : vector<200x640xi16> to vector<200x128xi16>
    %add3A_1089 = arith.addi %add3A_1087, %slice3A_1088 : vector<200x128xi16>
    %slice3A_1090 = vector.extract_strided_slice %add3A_1082 {offsets = [0, 512], sizes = [200, 128], strides = [1, 1]} : vector<200x640xi16> to vector<200x128xi16>
    %add3A_1091 = arith.addi %add3A_1089, %slice3A_1090 : vector<200x128xi16>
    %convert_element_type3A_1092 = arith.extsi %add3A_1091 : vector<200x128xi16> to vector<200x128xi32>
    %reduce_sum3A_1093 = arith.constant dense<0> : vector<200xi32>
    %reduce_sum3A_1094 = vector.multi_reduction <add>, %convert_element_type3A_1092, %reduce_sum3A_1093 [1] : vector<200x128xi32> to vector<200xi32>
    %broadcast_in_dim3A_1095 = vector.shape_cast %reduce_sum3A_1094 : vector<200xi32> to vector<200x1xi32>
    %ge3A_1096 = arith.cmpi sge, %broadcast_in_dim3A_1095, %sub3A_802 : vector<200x1xi32>
    %select_n3A_1097 = arith.select %ge3A_1096, %select_n3A_1058, %add3A_1064 : vector<200x1xi1>, vector<200x1xi32>
    %select_n3A_1098 = arith.select %ge3A_1096, %add3A_1064, %select_n3A_1059 : vector<200x1xi1>, vector<200x1xi32>
    %sub3A_1099 = arith.subi %select_n3A_1098, %select_n3A_1097 : vector<200x1xi32>
    %div3A_1100 = arith.constant 2 : i32
    %div3A_1101 = vector.broadcast %div3A_1100 : i32 to vector<200x1xi32>
    %div3A_1102 = arith.divsi %sub3A_1099, %div3A_1101 : vector<200x1xi32>
    %add3A_1103 = arith.addi %select_n3A_1097, %div3A_1102 : vector<200x1xi32>
    %convert_element_type3A_1104 = arith.trunci %add3A_1103 : vector<200x1xi32> to vector<200x1xi16>
    %lt3A_1105 = vector.broadcast %convert_element_type3A_1104 : vector<200x1xi16> to vector<200x10240xi16>
    %lt3A_1106 = arith.cmpi slt, %iota3A, %lt3A_1105 : vector<200x10240xi16>
    %jit3A_1107 = arith.constant 0 : i16
    %broadcast_in_dim3A_1108 = vector.broadcast %jit3A_1107 : i16 to vector<200x10240xi16>
    %select_n3A_1109 = arith.select %lt3A_1106, %convert_element_type3A_825, %broadcast_in_dim3A_1108 : vector<200x10240xi1>, vector<200x10240xi16>
    %slice3A_1110 = vector.extract_strided_slice %select_n3A_1109 {offsets = [0, 0], sizes = [200, 5120], strides = [1, 1]} : vector<200x10240xi16> to vector<200x5120xi16>
    %slice3A_1111 = vector.extract_strided_slice %select_n3A_1109 {offsets = [0, 5120], sizes = [200, 5120], strides = [1, 1]} : vector<200x10240xi16> to vector<200x5120xi16>
    %add3A_1112 = arith.addi %slice3A_1110, %slice3A_1111 : vector<200x5120xi16>
    %slice3A_1113 = vector.extract_strided_slice %add3A_1112 {offsets = [0, 0], sizes = [200, 2560], strides = [1, 1]} : vector<200x5120xi16> to vector<200x2560xi16>
    %slice3A_1114 = vector.extract_strided_slice %add3A_1112 {offsets = [0, 2560], sizes = [200, 2560], strides = [1, 1]} : vector<200x5120xi16> to vector<200x2560xi16>
    %add3A_1115 = arith.addi %slice3A_1113, %slice3A_1114 : vector<200x2560xi16>
    %slice3A_1116 = vector.extract_strided_slice %add3A_1115 {offsets = [0, 0], sizes = [200, 1280], strides = [1, 1]} : vector<200x2560xi16> to vector<200x1280xi16>
    %slice3A_1117 = vector.extract_strided_slice %add3A_1115 {offsets = [0, 1280], sizes = [200, 1280], strides = [1, 1]} : vector<200x2560xi16> to vector<200x1280xi16>
    %add3A_1118 = arith.addi %slice3A_1116, %slice3A_1117 : vector<200x1280xi16>
    %slice3A_1119 = vector.extract_strided_slice %add3A_1118 {offsets = [0, 0], sizes = [200, 640], strides = [1, 1]} : vector<200x1280xi16> to vector<200x640xi16>
    %slice3A_1120 = vector.extract_strided_slice %add3A_1118 {offsets = [0, 640], sizes = [200, 640], strides = [1, 1]} : vector<200x1280xi16> to vector<200x640xi16>
    %add3A_1121 = arith.addi %slice3A_1119, %slice3A_1120 : vector<200x640xi16>
    %slice3A_1122 = vector.extract_strided_slice %add3A_1121 {offsets = [0, 0], sizes = [200, 128], strides = [1, 1]} : vector<200x640xi16> to vector<200x128xi16>
    %slice3A_1123 = vector.extract_strided_slice %add3A_1121 {offsets = [0, 128], sizes = [200, 128], strides = [1, 1]} : vector<200x640xi16> to vector<200x128xi16>
    %add3A_1124 = arith.addi %slice3A_1122, %slice3A_1123 : vector<200x128xi16>
    %slice3A_1125 = vector.extract_strided_slice %add3A_1121 {offsets = [0, 256], sizes = [200, 128], strides = [1, 1]} : vector<200x640xi16> to vector<200x128xi16>
    %add3A_1126 = arith.addi %add3A_1124, %slice3A_1125 : vector<200x128xi16>
    %slice3A_1127 = vector.extract_strided_slice %add3A_1121 {offsets = [0, 384], sizes = [200, 128], strides = [1, 1]} : vector<200x640xi16> to vector<200x128xi16>
    %add3A_1128 = arith.addi %add3A_1126, %slice3A_1127 : vector<200x128xi16>
    %slice3A_1129 = vector.extract_strided_slice %add3A_1121 {offsets = [0, 512], sizes = [200, 128], strides = [1, 1]} : vector<200x640xi16> to vector<200x128xi16>
    %add3A_1130 = arith.addi %add3A_1128, %slice3A_1129 : vector<200x128xi16>
    %convert_element_type3A_1131 = arith.extsi %add3A_1130 : vector<200x128xi16> to vector<200x128xi32>
    %reduce_sum3A_1132 = arith.constant dense<0> : vector<200xi32>
    %reduce_sum3A_1133 = vector.multi_reduction <add>, %convert_element_type3A_1131, %reduce_sum3A_1132 [1] : vector<200x128xi32> to vector<200xi32>
    %broadcast_in_dim3A_1134 = vector.shape_cast %reduce_sum3A_1133 : vector<200xi32> to vector<200x1xi32>
    %ge3A_1135 = arith.cmpi sge, %broadcast_in_dim3A_1134, %sub3A_802 : vector<200x1xi32>
    %select_n3A_1136 = arith.select %ge3A_1135, %select_n3A_1097, %add3A_1103 : vector<200x1xi1>, vector<200x1xi32>
    %select_n3A_1137 = arith.select %ge3A_1135, %add3A_1103, %select_n3A_1098 : vector<200x1xi1>, vector<200x1xi32>
    %sub3A_1138 = arith.subi %select_n3A_1137, %select_n3A_1136 : vector<200x1xi32>
    %div3A_1139 = arith.constant 2 : i32
    %div3A_1140 = vector.broadcast %div3A_1139 : i32 to vector<200x1xi32>
    %div3A_1141 = arith.divsi %sub3A_1138, %div3A_1140 : vector<200x1xi32>
    %add3A_1142 = arith.addi %select_n3A_1136, %div3A_1141 : vector<200x1xi32>
    %convert_element_type3A_1143 = arith.trunci %add3A_1142 : vector<200x1xi32> to vector<200x1xi16>
    %lt3A_1144 = vector.broadcast %convert_element_type3A_1143 : vector<200x1xi16> to vector<200x10240xi16>
    %lt3A_1145 = arith.cmpi slt, %iota3A, %lt3A_1144 : vector<200x10240xi16>
    %jit3A_1146 = arith.constant 0 : i16
    %broadcast_in_dim3A_1147 = vector.broadcast %jit3A_1146 : i16 to vector<200x10240xi16>
    %select_n3A_1148 = arith.select %lt3A_1145, %convert_element_type3A_825, %broadcast_in_dim3A_1147 : vector<200x10240xi1>, vector<200x10240xi16>
    %slice3A_1149 = vector.extract_strided_slice %select_n3A_1148 {offsets = [0, 0], sizes = [200, 5120], strides = [1, 1]} : vector<200x10240xi16> to vector<200x5120xi16>
    %slice3A_1150 = vector.extract_strided_slice %select_n3A_1148 {offsets = [0, 5120], sizes = [200, 5120], strides = [1, 1]} : vector<200x10240xi16> to vector<200x5120xi16>
    %add3A_1151 = arith.addi %slice3A_1149, %slice3A_1150 : vector<200x5120xi16>
    %slice3A_1152 = vector.extract_strided_slice %add3A_1151 {offsets = [0, 0], sizes = [200, 2560], strides = [1, 1]} : vector<200x5120xi16> to vector<200x2560xi16>
    %slice3A_1153 = vector.extract_strided_slice %add3A_1151 {offsets = [0, 2560], sizes = [200, 2560], strides = [1, 1]} : vector<200x5120xi16> to vector<200x2560xi16>
    %add3A_1154 = arith.addi %slice3A_1152, %slice3A_1153 : vector<200x2560xi16>
    %slice3A_1155 = vector.extract_strided_slice %add3A_1154 {offsets = [0, 0], sizes = [200, 1280], strides = [1, 1]} : vector<200x2560xi16> to vector<200x1280xi16>
    %slice3A_1156 = vector.extract_strided_slice %add3A_1154 {offsets = [0, 1280], sizes = [200, 1280], strides = [1, 1]} : vector<200x2560xi16> to vector<200x1280xi16>
    %add3A_1157 = arith.addi %slice3A_1155, %slice3A_1156 : vector<200x1280xi16>
    %slice3A_1158 = vector.extract_strided_slice %add3A_1157 {offsets = [0, 0], sizes = [200, 640], strides = [1, 1]} : vector<200x1280xi16> to vector<200x640xi16>
    %slice3A_1159 = vector.extract_strided_slice %add3A_1157 {offsets = [0, 640], sizes = [200, 640], strides = [1, 1]} : vector<200x1280xi16> to vector<200x640xi16>
    %add3A_1160 = arith.addi %slice3A_1158, %slice3A_1159 : vector<200x640xi16>
    %slice3A_1161 = vector.extract_strided_slice %add3A_1160 {offsets = [0, 0], sizes = [200, 128], strides = [1, 1]} : vector<200x640xi16> to vector<200x128xi16>
    %slice3A_1162 = vector.extract_strided_slice %add3A_1160 {offsets = [0, 128], sizes = [200, 128], strides = [1, 1]} : vector<200x640xi16> to vector<200x128xi16>
    %add3A_1163 = arith.addi %slice3A_1161, %slice3A_1162 : vector<200x128xi16>
    %slice3A_1164 = vector.extract_strided_slice %add3A_1160 {offsets = [0, 256], sizes = [200, 128], strides = [1, 1]} : vector<200x640xi16> to vector<200x128xi16>
    %add3A_1165 = arith.addi %add3A_1163, %slice3A_1164 : vector<200x128xi16>
    %slice3A_1166 = vector.extract_strided_slice %add3A_1160 {offsets = [0, 384], sizes = [200, 128], strides = [1, 1]} : vector<200x640xi16> to vector<200x128xi16>
    %add3A_1167 = arith.addi %add3A_1165, %slice3A_1166 : vector<200x128xi16>
    %slice3A_1168 = vector.extract_strided_slice %add3A_1160 {offsets = [0, 512], sizes = [200, 128], strides = [1, 1]} : vector<200x640xi16> to vector<200x128xi16>
    %add3A_1169 = arith.addi %add3A_1167, %slice3A_1168 : vector<200x128xi16>
    %convert_element_type3A_1170 = arith.extsi %add3A_1169 : vector<200x128xi16> to vector<200x128xi32>
    %reduce_sum3A_1171 = arith.constant dense<0> : vector<200xi32>
    %reduce_sum3A_1172 = vector.multi_reduction <add>, %convert_element_type3A_1170, %reduce_sum3A_1171 [1] : vector<200x128xi32> to vector<200xi32>
    %broadcast_in_dim3A_1173 = vector.shape_cast %reduce_sum3A_1172 : vector<200xi32> to vector<200x1xi32>
    %ge3A_1174 = arith.cmpi sge, %broadcast_in_dim3A_1173, %sub3A_802 : vector<200x1xi32>
    %select_n3A_1175 = arith.select %ge3A_1174, %select_n3A_1136, %add3A_1142 : vector<200x1xi1>, vector<200x1xi32>
    %select_n3A_1176 = arith.select %ge3A_1174, %add3A_1142, %select_n3A_1137 : vector<200x1xi1>, vector<200x1xi32>
    %sub3A_1177 = arith.subi %select_n3A_1176, %select_n3A_1175 : vector<200x1xi32>
    %div3A_1178 = arith.constant 2 : i32
    %div3A_1179 = vector.broadcast %div3A_1178 : i32 to vector<200x1xi32>
    %div3A_1180 = arith.divsi %sub3A_1177, %div3A_1179 : vector<200x1xi32>
    %add3A_1181 = arith.addi %select_n3A_1175, %div3A_1180 : vector<200x1xi32>
    %convert_element_type3A_1182 = arith.trunci %add3A_1181 : vector<200x1xi32> to vector<200x1xi16>
    %lt3A_1183 = vector.broadcast %convert_element_type3A_1182 : vector<200x1xi16> to vector<200x10240xi16>
    %lt3A_1184 = arith.cmpi slt, %iota3A, %lt3A_1183 : vector<200x10240xi16>
    %jit3A_1185 = arith.constant 0 : i16
    %broadcast_in_dim3A_1186 = vector.broadcast %jit3A_1185 : i16 to vector<200x10240xi16>
    %select_n3A_1187 = arith.select %lt3A_1184, %convert_element_type3A_825, %broadcast_in_dim3A_1186 : vector<200x10240xi1>, vector<200x10240xi16>
    %slice3A_1188 = vector.extract_strided_slice %select_n3A_1187 {offsets = [0, 0], sizes = [200, 5120], strides = [1, 1]} : vector<200x10240xi16> to vector<200x5120xi16>
    %slice3A_1189 = vector.extract_strided_slice %select_n3A_1187 {offsets = [0, 5120], sizes = [200, 5120], strides = [1, 1]} : vector<200x10240xi16> to vector<200x5120xi16>
    %add3A_1190 = arith.addi %slice3A_1188, %slice3A_1189 : vector<200x5120xi16>
    %slice3A_1191 = vector.extract_strided_slice %add3A_1190 {offsets = [0, 0], sizes = [200, 2560], strides = [1, 1]} : vector<200x5120xi16> to vector<200x2560xi16>
    %slice3A_1192 = vector.extract_strided_slice %add3A_1190 {offsets = [0, 2560], sizes = [200, 2560], strides = [1, 1]} : vector<200x5120xi16> to vector<200x2560xi16>
    %add3A_1193 = arith.addi %slice3A_1191, %slice3A_1192 : vector<200x2560xi16>
    %slice3A_1194 = vector.extract_strided_slice %add3A_1193 {offsets = [0, 0], sizes = [200, 1280], strides = [1, 1]} : vector<200x2560xi16> to vector<200x1280xi16>
    %slice3A_1195 = vector.extract_strided_slice %add3A_1193 {offsets = [0, 1280], sizes = [200, 1280], strides = [1, 1]} : vector<200x2560xi16> to vector<200x1280xi16>
    %add3A_1196 = arith.addi %slice3A_1194, %slice3A_1195 : vector<200x1280xi16>
    %slice3A_1197 = vector.extract_strided_slice %add3A_1196 {offsets = [0, 0], sizes = [200, 640], strides = [1, 1]} : vector<200x1280xi16> to vector<200x640xi16>
    %slice3A_1198 = vector.extract_strided_slice %add3A_1196 {offsets = [0, 640], sizes = [200, 640], strides = [1, 1]} : vector<200x1280xi16> to vector<200x640xi16>
    %add3A_1199 = arith.addi %slice3A_1197, %slice3A_1198 : vector<200x640xi16>
    %slice3A_1200 = vector.extract_strided_slice %add3A_1199 {offsets = [0, 0], sizes = [200, 128], strides = [1, 1]} : vector<200x640xi16> to vector<200x128xi16>
    %slice3A_1201 = vector.extract_strided_slice %add3A_1199 {offsets = [0, 128], sizes = [200, 128], strides = [1, 1]} : vector<200x640xi16> to vector<200x128xi16>
    %add3A_1202 = arith.addi %slice3A_1200, %slice3A_1201 : vector<200x128xi16>
    %slice3A_1203 = vector.extract_strided_slice %add3A_1199 {offsets = [0, 256], sizes = [200, 128], strides = [1, 1]} : vector<200x640xi16> to vector<200x128xi16>
    %add3A_1204 = arith.addi %add3A_1202, %slice3A_1203 : vector<200x128xi16>
    %slice3A_1205 = vector.extract_strided_slice %add3A_1199 {offsets = [0, 384], sizes = [200, 128], strides = [1, 1]} : vector<200x640xi16> to vector<200x128xi16>
    %add3A_1206 = arith.addi %add3A_1204, %slice3A_1205 : vector<200x128xi16>
    %slice3A_1207 = vector.extract_strided_slice %add3A_1199 {offsets = [0, 512], sizes = [200, 128], strides = [1, 1]} : vector<200x640xi16> to vector<200x128xi16>
    %add3A_1208 = arith.addi %add3A_1206, %slice3A_1207 : vector<200x128xi16>
    %convert_element_type3A_1209 = arith.extsi %add3A_1208 : vector<200x128xi16> to vector<200x128xi32>
    %reduce_sum3A_1210 = arith.constant dense<0> : vector<200xi32>
    %reduce_sum3A_1211 = vector.multi_reduction <add>, %convert_element_type3A_1209, %reduce_sum3A_1210 [1] : vector<200x128xi32> to vector<200xi32>
    %broadcast_in_dim3A_1212 = vector.shape_cast %reduce_sum3A_1211 : vector<200xi32> to vector<200x1xi32>
    %ge3A_1213 = arith.cmpi sge, %broadcast_in_dim3A_1212, %sub3A_802 : vector<200x1xi32>
    %select_n3A_1214 = arith.select %ge3A_1213, %select_n3A_1175, %add3A_1181 : vector<200x1xi1>, vector<200x1xi32>
    %select_n3A_1215 = arith.select %ge3A_1213, %add3A_1181, %select_n3A_1176 : vector<200x1xi1>, vector<200x1xi32>
    %sub3A_1216 = arith.subi %select_n3A_1215, %select_n3A_1214 : vector<200x1xi32>
    %div3A_1217 = arith.constant 2 : i32
    %div3A_1218 = vector.broadcast %div3A_1217 : i32 to vector<200x1xi32>
    %div3A_1219 = arith.divsi %sub3A_1216, %div3A_1218 : vector<200x1xi32>
    %add3A_1220 = arith.addi %select_n3A_1214, %div3A_1219 : vector<200x1xi32>
    %convert_element_type3A_1221 = arith.trunci %add3A_1220 : vector<200x1xi32> to vector<200x1xi16>
    %lt3A_1222 = vector.broadcast %convert_element_type3A_1221 : vector<200x1xi16> to vector<200x10240xi16>
    %lt3A_1223 = arith.cmpi slt, %iota3A, %lt3A_1222 : vector<200x10240xi16>
    %jit3A_1224 = arith.constant 0 : i16
    %broadcast_in_dim3A_1225 = vector.broadcast %jit3A_1224 : i16 to vector<200x10240xi16>
    %select_n3A_1226 = arith.select %lt3A_1223, %convert_element_type3A_825, %broadcast_in_dim3A_1225 : vector<200x10240xi1>, vector<200x10240xi16>
    %slice3A_1227 = vector.extract_strided_slice %select_n3A_1226 {offsets = [0, 0], sizes = [200, 5120], strides = [1, 1]} : vector<200x10240xi16> to vector<200x5120xi16>
    %slice3A_1228 = vector.extract_strided_slice %select_n3A_1226 {offsets = [0, 5120], sizes = [200, 5120], strides = [1, 1]} : vector<200x10240xi16> to vector<200x5120xi16>
    %add3A_1229 = arith.addi %slice3A_1227, %slice3A_1228 : vector<200x5120xi16>
    %slice3A_1230 = vector.extract_strided_slice %add3A_1229 {offsets = [0, 0], sizes = [200, 2560], strides = [1, 1]} : vector<200x5120xi16> to vector<200x2560xi16>
    %slice3A_1231 = vector.extract_strided_slice %add3A_1229 {offsets = [0, 2560], sizes = [200, 2560], strides = [1, 1]} : vector<200x5120xi16> to vector<200x2560xi16>
    %add3A_1232 = arith.addi %slice3A_1230, %slice3A_1231 : vector<200x2560xi16>
    %slice3A_1233 = vector.extract_strided_slice %add3A_1232 {offsets = [0, 0], sizes = [200, 1280], strides = [1, 1]} : vector<200x2560xi16> to vector<200x1280xi16>
    %slice3A_1234 = vector.extract_strided_slice %add3A_1232 {offsets = [0, 1280], sizes = [200, 1280], strides = [1, 1]} : vector<200x2560xi16> to vector<200x1280xi16>
    %add3A_1235 = arith.addi %slice3A_1233, %slice3A_1234 : vector<200x1280xi16>
    %slice3A_1236 = vector.extract_strided_slice %add3A_1235 {offsets = [0, 0], sizes = [200, 640], strides = [1, 1]} : vector<200x1280xi16> to vector<200x640xi16>
    %slice3A_1237 = vector.extract_strided_slice %add3A_1235 {offsets = [0, 640], sizes = [200, 640], strides = [1, 1]} : vector<200x1280xi16> to vector<200x640xi16>
    %add3A_1238 = arith.addi %slice3A_1236, %slice3A_1237 : vector<200x640xi16>
    %slice3A_1239 = vector.extract_strided_slice %add3A_1238 {offsets = [0, 0], sizes = [200, 128], strides = [1, 1]} : vector<200x640xi16> to vector<200x128xi16>
    %slice3A_1240 = vector.extract_strided_slice %add3A_1238 {offsets = [0, 128], sizes = [200, 128], strides = [1, 1]} : vector<200x640xi16> to vector<200x128xi16>
    %add3A_1241 = arith.addi %slice3A_1239, %slice3A_1240 : vector<200x128xi16>
    %slice3A_1242 = vector.extract_strided_slice %add3A_1238 {offsets = [0, 256], sizes = [200, 128], strides = [1, 1]} : vector<200x640xi16> to vector<200x128xi16>
    %add3A_1243 = arith.addi %add3A_1241, %slice3A_1242 : vector<200x128xi16>
    %slice3A_1244 = vector.extract_strided_slice %add3A_1238 {offsets = [0, 384], sizes = [200, 128], strides = [1, 1]} : vector<200x640xi16> to vector<200x128xi16>
    %add3A_1245 = arith.addi %add3A_1243, %slice3A_1244 : vector<200x128xi16>
    %slice3A_1246 = vector.extract_strided_slice %add3A_1238 {offsets = [0, 512], sizes = [200, 128], strides = [1, 1]} : vector<200x640xi16> to vector<200x128xi16>
    %add3A_1247 = arith.addi %add3A_1245, %slice3A_1246 : vector<200x128xi16>
    %convert_element_type3A_1248 = arith.extsi %add3A_1247 : vector<200x128xi16> to vector<200x128xi32>
    %reduce_sum3A_1249 = arith.constant dense<0> : vector<200xi32>
    %reduce_sum3A_1250 = vector.multi_reduction <add>, %convert_element_type3A_1248, %reduce_sum3A_1249 [1] : vector<200x128xi32> to vector<200xi32>
    %broadcast_in_dim3A_1251 = vector.shape_cast %reduce_sum3A_1250 : vector<200xi32> to vector<200x1xi32>
    %ge3A_1252 = arith.cmpi sge, %broadcast_in_dim3A_1251, %sub3A_802 : vector<200x1xi32>
    %select_n3A_1253 = arith.select %ge3A_1252, %add3A_1220, %select_n3A_1215 : vector<200x1xi1>, vector<200x1xi32>
    %iota3A_1254 = tpu.iota {dimensions = array<i32: 1>} : vector<200x10240xi32>
    %gt3A_1255 = vector.broadcast %while3A#1 : vector<200x1xi32> to vector<200x10240xi32>
    %gt3A_1256 = arith.cmpi sgt, %bitcast_convert_type3A, %gt3A_1255 : vector<200x10240xi32>
    %lt3A_1257 = vector.broadcast %select_n3A_1253 : vector<200x1xi32> to vector<200x10240xi32>
    %lt3A_1258 = arith.cmpi slt, %iota3A_1254, %lt3A_1257 : vector<200x10240xi32>
    %and3A = arith.andi %eq3A_804, %lt3A_1258 : vector<200x10240xi1>
    %or3A = arith.ori %gt3A_1256, %and3A : vector<200x10240xi1>
    %jit3A_1259 = arith.constant 0.000000e+00 : f32
    %broadcast_in_dim3A_1260 = vector.broadcast %jit3A_1259 : f32 to vector<200x10240xf32>
    %select_n3A_1261 = arith.select %or3A, %max3A_17, %broadcast_in_dim3A_1260 : vector<200x10240xi1>, vector<200x10240xf32>
    %slice3A_1262 = vector.extract_strided_slice %select_n3A_1261 {offsets = [0, 0], sizes = [200, 10000], strides = [1, 1]} : vector<200x10240xf32> to vector<200x10000xf32>
    %swap3A = arith.constant 0 : index
    %swap3A_1263 = arith.constant 0 : index
    %swap3A_1264 = vector.load %arg5[%swap3A, %swap3A_1263] : memref<200x10000xf32, #tpu.memory_space<vmem>>, vector<200x10000xf32>
    tpu.vector_store %arg5[%swap3A, %swap3A_1263], %slice3A_1262 {strides = array<i32>} : memref<200x10000xf32, #tpu.memory_space<vmem>>, vector<200x10000xf32>,
    return
  }
  func.func @transform_0(%arg0: i32) -> (i32, i32) {
    %c0_i32 = arith.constant 0 : i32
    %c0_i32_0 = arith.constant 0 : i32
    return %arg0, %c0_i32 : i32, i32
  }
  func.func @transform_1(%arg0: i32) -> (i32, i32) {
    %c0_i32 = arith.constant 0 : i32
    %c0_i32_0 = arith.constant 0 : i32
    return %arg0, %c0_i32 : i32, i32
  }
  func.func @transform_2(%arg0: i32) -> (i32, i32) {
    %c0_i32 = arith.constant 0 : i32
    %c0_i32_0 = arith.constant 0 : i32
    %c0_i32_1 = arith.constant 0 : i32
    return %c0_i32, %c0_i32_0 : i32, i32
  }
  func.func @transform_3(%arg0: i32) -> (i32, i32) {
    %c0_i32 = arith.constant 0 : i32
    %c0_i32_0 = arith.constant 0 : i32
    %c0_i32_1 = arith.constant 0 : i32
    return %c0_i32, %c0_i32_0 : i32, i32
  }
  func.func @transform_4(%arg0: i32) -> (i32, i32) {
    %c0_i32 = arith.constant 0 : i32
    %c0_i32_0 = arith.constant 0 : i32
    return %arg0, %c0_i32 : i32, i32
  }
}

</mosaic_0001>

<sc_bundles>
// kernel: gather_offload_async_start.1
scs
__scs_entry_jumppad:
0x0: {  	(pc) =	sbr.rel $0x88, $3  }
0x1: {  	(tag) =	ssettag $0x0;
	lr =	simm.s32 $0x1  }
0x2: {  	[smem:$0x3F9A] =	sst lr;
	_ =	strace $0xD0000000  }
0x3: {  	_ = 	snop  }
0x4: {  	_ = 	snop  }
0x5: {  	_ = 	snop  }
0x6: {  	_ = 	snop  }
0x7: {  	_ = 	snop  }
__scs_overlays_trampoline_lowered:
0x8: {  	[smem:$0x3FA9] =	sst s0  }
0x9: {  	[smem:$0x3FAA] =	sst s1  }
0xa: {  	[smem:$0x3FAB] =	sst s2  }
0xb: {  	[smem:$0x3FAC] =	sst s3  }
0xc: {  	[smem:$0x3FAD] =	sst s4  }
0xd: {  	[smem:$0x3FAE] =	sst s5  }
0xe: {  	[smem:$0x3FAF] =	sst s6  }
0xf: {  	[smem:$0x3FB0] =	sst s7  }
0x10: {  	[smem:$0x3FB1] =	sst s8  }
0x11: {  	[smem:$0x3FB2] =	sst s9;
	s0 =	simm.s32 @!p0 $0x0  }
0x12: {  	s1 =	sld [smem:$0x3F98];
	s0 =	simm.s32 @p0 $0x1  }
0x13: {  	[smem:$0x3FB3] =	sst s0;
	s0 =	simm.s32 @!p1 $0x0  }
0x14: {  	s2 =	sld [smem:$0x3F97];
	s0 =	simm.s32 @p1 $0x1  }
0x15: {  	[smem:$0x3FB4] =	sst s0;
	s0 =	simm.s32 @!p2 $0x0  }
0x16: {  	s3 =	sld [smem:$0x3FDB];
	s0 =	simm.s32 @p2 $0x1  }
0x17: {  	s4 =	simm.s32 $0x1BF5;
	[smem:$0x3FB6] =	sst s0  }
0x18: {  	s0 =	sld [smem:$0x3F99];
	_ =	swait.ge [sflag:s4], $0x0  }
0x19: {  	s7 =	sld [smem:$0x3F9A]  }
0x1a: {  	s8 =	sadd.s32 $0xFFFFE003, lr  }
0x1b: {  	s9 =	sadd.s32 $0xFFFFFEF7, lr;
	s5 =	simm.s32 $0xFFFFFFFF;
	p2 =	slt.u32 s8, $0xFFFFF086  }
0x1c: {  	p1 =	slt.u32 s9, $0xF7A;
	s5 =	simm.s32 @!p2 $0x0  }
0x1d: {  	s5 =	simm.s32 @p1 $0x1;
	p0 =	seq.s32 s7, s2  }
0x1e: {  	s7 =	smul.u32 @!p0 $0xF7A, s2;
	p2 =	seq.s32 @!p0 s5, $0x0  }
0x1f: {  	s9 =	smul.u32 $0xF7A, s1;
	s8 =	simm.s32 @!p0 $0x1BF5;
	p2 =	por !p2, p0  }
0x20: {  	[sflag:s8] =	ssyncset.s32 @!p0 $0xFFFFF086;
	s6 =	sadd.s32 @!p0 s3, s7;
	s7 =	simm.s32 @!p0 $0x108  }
0x21: {  	s3 =	sadd.s32 s3, s9;
	s6 =	sadd.s32 @!p0 $0x88, s6;
	s7 =	simm.s32 @p2 $0x1082  }
0x22: {  	[simem:s7], [sflag:s8] =	dma.local @!p0 [hbm:s6], $0xF7A  }
0x23: {  	s9 =	sor.u32 $0xD0000000, s2;
	s6 =	simm.s32 $0x108;
	_ =	swait.ge @!p0 [sflag:s8], $0x0  }
0x24: {  	s3 =	sadd.s32 $0x88, s3;
	s6 =	simm.s32 @!p1 $0x1082;
	[sflag:s4] =	ssyncset.s32 $0xFFFFF086  }
0x25: {  	[simem:s6], [sflag:s4] =	dma.local [hbm:s3], $0xF7A  }
0x26: {  	[smem:$0x3F9A] =	sst s1;
	(tag) =	ssettag s2;
	_ =	strace s9  }
0x27: {  	s1 =	sld [smem:$0x3FAA]  }
0x28: {  	s2 =	sld [smem:$0x3FAB]  }
0x29: {  	s4 =	sld [smem:$0x3FAD]  }
0x2a: {  	p0 =	seq.s32 s5, $0x0;
	s5 =	sld [smem:$0x3FAE]  }
0x2b: {  	s6 =	sld [smem:$0x3FAF]  }
0x2c: {  	s7 =	sld [smem:$0x3FB0]  }
0x2d: {  	s3 =	simm.s32 $0x108;
	s8 =	sld [smem:$0x3FB1]  }
0x2e: {  	s3 =	simm.s32 @!p0 $0x1082;
	s9 =	sld [smem:$0x3FB2]  }
0x2f: {  	lr =	sadd.s32 s0, s3;
	s0 =	sld [smem:$0x3FA9]  }
0x30: {  	s3 =	sld [smem:$0x3FAC]  }
0x31: {  	[smem:$0x3FB5] =	sst s10  }
0x32: {  	s10 =	sld [smem:$0x3FB3];
	_ =	sdelay $0x3  }
0x33: {  	p0 =	seq.s32 s10, $0x1;
	s10 =	sld [smem:$0x3FB5];
	_ =	sdelay $0x3  }
0x34: {  	[smem:$0x3FB5] =	sst s10  }
0x35: {  	s10 =	sld [smem:$0x3FB4];
	_ =	sdelay $0x3  }
0x36: {  	p1 =	seq.s32 s10, $0x1;
	s10 =	sld [smem:$0x3FB5];
	_ =	sdelay $0x3  }
0x37: {  	[smem:$0x3FB5] =	sst s10  }
0x38: {  	s10 =	sld [smem:$0x3FB6]  }
0x39: {  	_ = 	snop;
	(pc) =	sbr.ind lr, $3  }
0x3a: {  	_ = 	snop  }
0x3b: {  	_ = 	snop  }
0x3c: {  	p2 =	seq.s32 s10, $0x1;
	s10 =	sld [smem:$0x3FB5]  }
0x3d: {  	_ =	shalt  }
0x3e: {  	_ =	shalt  }
0x3f: {  	_ =	shalt  }
0x40: {  	_ =	shalt  }
0x41: {  	_ =	shalt  }
0x42: {  	_ =	shalt  }
0x43: {  	_ =	shalt  }
0x44: {  	_ =	shalt  }
0x45: {  	_ =	shalt  }
0x46: {  	_ =	shalt  }
0x47: {  	_ =	shalt  }
0x48: {  	_ =	shalt  }
0x49: {  	_ =	shalt  }
0x4a: {  	_ =	shalt  }
0x4b: {  	_ =	shalt  }
0x4c: {  	_ =	shalt  }
0x4d: {  	_ =	shalt  }
0x4e: {  	_ =	shalt  }
0x4f: {  	_ =	shalt  }
0x50: {  	_ =	shalt  }
0x51: {  	_ =	shalt  }
0x52: {  	_ =	shalt  }
0x53: {  	_ =	shalt  }
0x54: {  	_ =	shalt  }
0x55: {  	_ =	shalt  }
0x56: {  	_ =	shalt  }
0x57: {  	_ =	shalt  }
0x58: {  	_ =	shalt  }
0x59: {  	_ =	shalt  }
0x5a: {  	_ =	shalt  }
0x5b: {  	_ =	shalt  }
0x5c: {  	_ =	shalt  }
0x5d: {  	_ =	shalt  }
0x5e: {  	_ =	shalt  }
0x5f: {  	_ =	shalt  }
0x60: {  	_ =	shalt  }
0x61: {  	_ =	shalt  }
0x62: {  	_ =	shalt  }
0x63: {  	_ =	shalt  }
0x64: {  	_ =	shalt  }
0x65: {  	_ =	shalt  }
0x66: {  	_ =	shalt  }
0x67: {  	_ =	shalt  }
0x68: {  	_ =	shalt  }
0x69: {  	_ =	shalt  }
0x6a: {  	_ =	shalt  }
0x6b: {  	_ =	shalt  }
0x6c: {  	_ =	shalt  }
0x6d: {  	_ =	shalt  }
0x6e: {  	_ =	shalt  }
0x6f: {  	_ =	shalt  }
0x70: {  	_ =	shalt  }
0x71: {  	_ =	shalt  }
0x72: {  	_ =	shalt  }
0x73: {  	_ =	shalt  }
0x74: {  	_ =	shalt  }
0x75: {  	_ =	shalt  }
0x76: {  	_ =	shalt  }
0x77: {  	_ =	shalt  }
0x78: {  	_ =	shalt  }
0x79: {  	_ =	shalt  }
0x7a: {  	_ =	shalt  }
0x7b: {  	_ =	shalt  }
0x7c: {  	_ =	shalt  }
0x7d: {  	_ =	shalt  }
0x7e: {  	_ =	shalt  }
0x7f: {  	_ =	shalt  }
0x80: {  	_ =	shalt  }
0x81: {  	_ =	shalt  }
0x82: {  	_ =	shalt  }
0x83: {  	_ =	shalt  }
0x84: {  	_ =	shalt  }
0x85: {  	_ =	shalt  }
0x86: {  	_ =	shalt  }
0x87: {  	_ =	shalt  }
.Lfunc_end0:
.L_simem_size_0:
called_computation.1_lowered:
.L_overlay_start_0:
0x88: {  	s0 =	sld [smem:$0x3FD9]  }
0x89: {  	s1 =	sld [smem:$0x3FFE];
	_ =	sdelay $0x3  }
0x8a: {  	s0 =	sadd.s32 s1, s0  }
0x8b: {  	[smem:$0x3FC1] =	sst s0  }
0x8c: {  	_ = 	snop  }
0x8d: {  	s0 =	sld [smem:$0x3FD0];
	(tm) =	ssettm $0x1  }
0x8e: {  	s16 =	sld [smem:$0x3FFB];
	_ =	sdelay $0x3  }
0x8f: {  	_ =	strace s16  }
0x90: {  	s1 =	sld [smem:$0x3FFC];
	_ =	sdelay $0x3  }
0x91: {  	_ =	strace s1  }
0x92: {  	s1 =	sld [smem:$0x3FFD];
	_ =	sdelay $0x3  }
0x93: {  	_ =	strace s1  }
0x94: {  	_ =	strace $0x8FFFFFFF  }
0x95: {  	s17 =	sld [smem:$0x3FDB];
	_ =	sdelay $0x1  }
0x96: {  	s2 =	simm.s32 $_scs_section_size  }
0x97: {  	s3 =	simm.s32 $_size__tile_overlayer_lowered;
	s4 =	simm.s32 $_tile_overlayer_lowered  }
0x98: {  	s20 =	simm.s32 $0x1BFF;
	s19 =	sshll.u32 s4, $0x1;
	s1 =	sadd.s32 s2, s17  }
0x99: {  	s5 =	simm.s32 $0x0;
	s18 =	sshll.u32 s3, $0x1;
	s3 =	sadd.s32 s19, s1  }
0x9a: {  	[timem:s5], [sflag:s20] =	dma.local [hbm:s3], s18  }
0x9b: {  	_ =	swait.ge [sflag:s20], s18  }
0x9c: {  	s2 =	ssub.s32 $0x0, s18;
	[sflag:s20] =	ssyncset.done $0x0  }
0x9d: {  	[sflag:s20] =	ssyncadd.s32 s2;
	_ =	sdelay $0x1  }
0x9e: {  	s21 =	simm.s32 $0x1B8B  }
0x9f: {  	_ =	swait.ge [sflag:s21], $0x1  }
0xa0: {  	[sflag:s21] =	ssyncset.done $0x0  }
0xa1: {  	s23 =	simm.s32 $0x1B8E;
	s22 =	sld [smem:$0x3FFE];
	[sflag:s21] =	ssyncadd.s32 $0xFFFFFFFF  }
0xa2: {  	s24 =	simm.s32 $execute0_lowered;
	[smem:$0x3FD2] =	sst s23  }
0xa3: {  	s3 =	sshll.u32 s24, $0x1;
	_ =	strace $0x80000046;
	[dreg:$0x1] =	wrdreg $0xFFFFFFFF  }
0xa4: {  	s25 =	simm.s32 $_size_execute0_lowered;
	s1 =	sadd.s32 s1, s3;
	[dreg:$0x0] =	wrdreg $0x0  }
0xa5: {  	s3 =	sshll.u32 s25, $0x1;
	[dreg:$0x2] =	wrdreg s1  }
0xa6: {  	[dreg:$0x3] =	wrdreg s3  }
0xa7: {  	[dreg:$0x4] =	wrdreg $0xC0  }
0xa8: {  	_ =	task [dreg:s5], $0x5FFFF  }
0xa9: {  	[dreg:$0x1] =	wrdreg $0xFFFFFFFF  }
0xaa: {  	[dreg:$0x0] =	wrdreg $0x60  }
0xab: {  	[dreg:$0x2] =	wrdreg s0  }
0xac: {  	[dreg:$0x3] =	wrdreg s22  }
0xad: {  	[dreg:$0x4] =	wrdreg $0xA  }
0xae: {  	_ =	task.clear_ibuf [dreg:s5], $0x5FFFF;
	_ =	strace $0x90000046  }
0xaf: {  	s26 =	simm.s32 $0xA;
	_ =	strace $0x80000048  }
0xb0: {  	_ =	swait.ge [sflag:s26], $0x1  }
0xb1: {  	[sflag:s26] =	ssyncadd.s32 $0xFFFFFFFF  }
0xb2: {  	_ =	strace $0x90000048  }
0xb3: {  	_ =	sfence  }
0xb4: {  	s28 =	sld [smem:$0x0];
	_ =	sdelay $0x1  }
0xb5: {  	s29 =	srdreg.scid  }
0xb6: {  	s30 =	sshll.u32 s29, $0xD;
	s31 =	sshrl.u32 s29, $0x2  }
0xb7: {  	s2 =	sand.u32 $0x4000, s30;
	s1 =	sand.u32 $0x1, s29;
	s0 =	sadd.s32 s31, s28  }
0xb8: {  	s1 =	sor.u32 s2, s1;
	s0 =	sshll.u32 s0, $0x11  }
0xb9: {  	s0 =	sor.u32 s0, s1  }
0xba: {  	s0 =	sadd.s32 $0x8F2B, s0  }
0xbb: {  	[sflag:s0] =	ssyncadd.remote.s32 $0x1  }
0xbc: {  	_ =	sfence.sel $0xFFFF  }
0xbd: {  	[dreg:$0x0] =	wrdreg $0xFFFFFFFF;
	(pc) =	sbr.abs _section_cstart, $3  }
0xbe: {  	[dreg:$0x1] =	wrdreg $0xFFFFFFFF  }
0xbf: {  	_ =	task.clear_ibuf [dreg:s5], $0x2FFFF;
	_ =	strace $0x9FFFFFFF  }
0xc0: {  	(tm) =	ssettm $0x7FFFFFFF  }
0xc1: {  	_ =	shalt  }
tec
execute0_lowered:
.L_overlay_start_1:
0x0: {  	(tag) =	ssettag $0x1  }
0x1: {  	s0 =	stileid.u32  }
0x2: {  	s1 =	smin.u32 s0, $0x9  }
0x3: {  	s1 =	sadd.s32 s0, s1  }
0x4: {  	s2 =	simm.s32 $0x320;
	p0 =	slt.u32 s0, $0x9;
	s1 =	smul.u32 $0x190, s1  }
0x5: {  	s2 =	simm.s32 @!p0 $0x190  }
0x6: {  	s2 =	sadd.s32 s2, s1  }
0x7: {  	s3 =	smin.u32 s2, $0x2710  }
0x8: {  	s7 =	ssub.s32 s3, s1  }
0x9: {  	p0 =	sgt.s32 s7, $0x0  }
0xa: {  	s7 =	simm.s32 @!p0 $0x0  }
0xb: {  	s31 =	sand.u32 $0xFFF0, s7  }
0xc: {  	s2 =	sshrl.u32 s31, $0x4  }
0xd: {  	s4 =	rddreg [dreg:$0x0];
	s2 =	smul.u32 $0xA3E, s2  }
0xe: {  	s9 =	rddreg [dreg:$0x1];
	s6 =	simm.s32 $0x1  }
0xf: {  	s11 =	simm.s32 $0x3;
	s13 =	simm.s32 $0x0;
	s8 =	sshrl.u32 s2, $0x10  }
0x10: {  	s12 =	simm.s32 $0x0;
	s5 =	sadd.s32 $0x1800, s9;
	s10 =	smul.u32 $0x190, s8  }
.Ltmp0:
0x11: {  	s9 =	sadd.s32 $0x1E00, s9;
	s2 =	rddreg [dreg:$0x2];
	(pc) =	sbr.rel .LBB2_1-.Ltmp0, $4  }
0x12: {  	_ =	strace $0x80000047;
	p0 =	sne.s32 s7, s10;
	s10 =	simm.s32 $0x1  }
0x13: {  	[sflag:s6] =	ssyncpa.u1 $0x0;
	s7 =	simm.s32 $0x2;
	s10 =	simm.s32 @!p0 $0x0  }
0x14: {  	[sflag:s7] =	ssyncpa.u1 $0x0;
	p0 =	por $0x0, $0x0;
	s8 =	sadd.s32 s8, s10  }
0x15: {  	vm0 =	vmmov $0xff;
	vm1 =	vcmask $0x3F20;
	[sflag:s11] =	ssyncpa.u1 $0x0;
	s11 =	smov.u32 s1;
	s10 =	sadd.s32 $0x1, s8  }
.LBB2_6:
0x16: {  	[hbm:s17] =	stream.linear.scatter [tilespmem:s14], [sflag:$0x3], $0x400, $0x38;
	[tilespmem:$0x19320] =	vst v63  }
.LBB2_7:
0x17: {  	s13 =	sadd.s32 $0x190, s11  }
0x18: {  	s15 =	smov.u32 s1;
	p2 =	slt.s32 s13, s3  }
0x19: {  	s15 =	smov.u32 @p2 s13;
	p2 =	sne.s32 s12, s10  }
.Ltmp1:
0x1a: {  	p1 =	slt.u32 s12, $0x2;
	(pc) =	sbr.rel @!p2 .LBB2_8-.Ltmp1, $4  }
0x1b: {  	s14 =	simm.s32 @!p1 $0x3  }
0x1c: {  	s16 =	sadd.s32 $0x1, s12;
	_ =	swait.ge @!p1 [sflag:s14], $0xC800  }
0x1d: {  	p0 =	por !p0, !p0;
	s13 =	smov.u32 s11;
	[sflag:s14] =	ssyncset.done @!p1 $0x0  }
0x1e: {  	s12 =	smov.u32 s16;
	s11 =	smov.u32 s15;
	[sflag:s14] =	ssyncadd.s32 @!p1 $0xFFFF3800  }
.LBB2_1:
0x1f: {  	p1 =	sge.u32 s12, s8  }
0x20: {  	s14 =	sxor.u32 @!p1 $0xFFFFFFFF, s12  }
0x21: {  	s14 =	sand.u32 @!p1 $0x1, s14  }
0x22: {  	s14 =	smul.u32 @!p1 $0x640, s14  }
0x23: {  	s31 =	sadd.s32 $0xFFFFFFFF, s12;
	s15 =	sshrl.u32 @!p1 s11, $0x3  }
0x24: {  	s16 =	sand.u32 @!p1 $0x7, s11;
	s15 =	sadd.s32 @!p1 s5, s15;
	s14 =	sshrl.u32 @!p1 s14, $0x2  }
0x25: {  	[tilespmem:s14], [sflag:$0x2] =	stream.linear.gather @!p1 [hbm4b:s15+s16], $0x190, $0x38;
	[tilespmem:$0x19320] =	vst v63  }
0x26: {  	p1 =	sge.u32 s31, s8  }
.Ltmp2:
0x27: {  	_ = 	snop;
	(pc) =	sbr.rel @p1 .LBB2_7-.Ltmp2, $1  }
0x28: {  	_ =	sdelay $0x3  }
0x29: {  	s14 =	simm.s32 $0x1  }
0x2a: {  	s14 =	simm.s32 @!p0 $0x0  }
0x2b: {  	s15 =	smul.u32 $0x640, s14  }
0x2c: {  	_ =	swait.ge [sflag:s7], $0x190  }
0x2d: {  	[sflag:s7] =	ssyncset.done $0x0;
	s16 =	sshrl.u32 s15, $0x2  }
0x2e: {  	[sflag:s7] =	ssyncadd.s32 $0xFFFFFE70;
	s15 =	sadd.s32 $0x0, s16  }
0x2f: {  	v0 =	vld.msk [tilespmem:s15+$0x0 ss:$0x1], $0xffff;
	_ =	sdelay $0x4  }
0x30: {  	vm2 =	vgt.s32 v0, $0x0  }
0x31: {  	v0 =	vnsel vm2, $0x0, v0  }
0x32: {  	v0 =	vmin.u32 v0, $0x270F  }
0x33: {  	v0 =	vshll.u32 v0, $0x4  }
0x34: {  	s14 =	smul.u32 $0x32000, s14;
	_ =	sdelay $0x1  }
0x35: {  	s14 =	sshrl.u32 s14, $0x2  }
0x36: {  	s14 =	sor.u32 $0x320, s14  }
0x37: {  	[tilespmem:s14], [sflag:$0x1] =	stream.indirect_vreg.gather [hbm:s4], $0x80, v0, vm0, $0x38;
	[tilespmem:$0x19320] =	vst v63  }
0x38: {  	s17 =	sadd.s32 $0x10, s16;
	s15 =	sadd.s32 $0x400, s14  }
0x39: {  	[tilespmem:s15], [sflag:$0x1] =	stream.indirect_vreg.gather [hbm:s4], $0x80, v0, vm1, $0x38;
	[tilespmem:$0x19320] =	vst v63  }
0x3a: {  	s18 =	simm.s32 $0x80;
	v0 =	vld.msk [tilespmem:s17+$0x0 ss:$0x1], $0xffff;
	s17 =	smov.u32 s14  }
.LBB2_3:
0x3b: {  	p1 =	sne.s32 s18, $0x600;
	_ =	sdelay $0x4  }
0x3c: {  	vm2 =	vgt.s32 v0, $0x0  }
0x3d: {  	v0 =	vnsel vm2, $0x0, v0  }
0x3e: {  	v0 =	vmin.u32 v0, $0x270F  }
0x3f: {  	v0 =	vshll.u32 v0, $0x4;
	_ =	sdelay $0x3  }
.Ltmp3:
0x40: {  	s19 =	sshra.s32 s18, $0x2;
	s17 =	sadd.s32 $0x800, s17;
	(pc) =	sbr.rel @p1 .LBB2_3-.Ltmp3, $4  }
0x41: {  	[tilespmem:s17], [sflag:$0x1] =	stream.indirect_vreg.gather [hbm:s4], $0x80, v0, vm0, $0x38;
	[tilespmem:$0x19320] =	vst v63  }
0x42: {  	s19 =	sadd.s32 s19, s16;
	s20 =	sadd.s32 $0x400, s17  }
0x43: {  	[tilespmem:s20], [sflag:$0x1] =	stream.indirect_vreg.gather [hbm:s4], $0x80, v0, vm1, $0x38;
	[tilespmem:$0x19320] =	vst v63  }
0x44: {  	s18 =	sadd.s32 $0x40, s18;
	v0 =	vld.msk [tilespmem:s19+$0x0 ss:$0x1], $0xffff  }
0x45: {  	_ =	sdelay $0x3  }
0x46: {  	vm2 =	vgt.s32 v0, $0x0  }
0x47: {  	v0 =	vnsel vm2, $0x0, v0  }
0x48: {  	v0 =	vmin.u32 v0, $0x270F  }
0x49: {  	v0 =	vshll.u32 v0, $0x4;
	_ =	sdelay $0x3  }
0x4a: {  	s16 =	sadd.s32 $0x800, s17  }
0x4b: {  	[tilespmem:s16], [sflag:$0x1] =	stream.indirect_vreg.gather [hbm:s4], $0x80, v0, vm0, $0x38;
	[tilespmem:$0x19320] =	vst v63  }
0x4c: {  	s16 =	sadd.s32 $0x400, s16  }
0x4d: {  	[tilespmem:s16], [sflag:$0x1] =	stream.indirect_vreg.gather [hbm:s4], $0x80, v0, vm1, $0x38;
	[tilespmem:$0x19320] =	vst v63  }
0x4e: {  	s13 =	sshll.u32 s13, $0x4;
	_ =	swait.ge [sflag:s6], $0xC800  }
0x4f: {  	s13 =	sadd.s32 s13, s9;
	[sflag:s6] =	ssyncset.done $0x0  }
0x50: {  	s17 =	sadd.s32 $0x0, s13;
	s16 =	simm.s32 $0x80;
	[sflag:s6] =	ssyncadd.s32 $0xFFFF3800  }
.LBB2_5:
0x51: {  	[hbm:s17] =	stream.linear.scatter [tilespmem:s14], [sflag:$0x3], $0x400, $0x38;
	[tilespmem:$0x19320] =	vst v63  }
0x52: {  	s17 =	smov.u32 s16;
	s14 =	smov.u32 s15;
	p1 =	sne.s32 s16, $0x1880  }
.Ltmp4:
0x53: {  	s16 =	sadd.s32 $0x80, s16;
	(pc) =	sbr.rel @p1 .LBB2_5-.Ltmp4, $2  }
0x54: {  	_ =	sdelay $0x2  }
0x55: {  	s15 =	sadd.s32 $0x400, s15;
	s17 =	sadd.s32 s17, s13  }
.Ltmp5:
0x56: {  	_ = 	snop;
	(pc) =	sbr.rel .LBB2_6-.Ltmp5, $1  }
0x57: {  	_ =	sdelay $0x3  }
.LBB2_8:
0x58: {  	_ =	sfence.sel $0x180000  }
0x59: {  	s1 =	simm.s32 $0x2;
	[bflag:$0x0] =	sbarrier.arrive $0xFFFF  }
0x5a: {  	s30 =	simm.s32 $0x3;
	[sflag:s1] =	ssyncpa.u1 $0x1  }
0x5b: {  	s31 =	simm.s32 $0x1;
	[sflag:s30] =	ssyncpa.u1 $0x1  }
0x5c: {  	[sflag:s31] =	ssyncpa.u1 $0x1  }
0x5d: {  	p0 =	sne.s32 s0, $0x0;
	_ =	strace $0x90000047  }
0x5e: {  	s0 =	sadd.s32 @!p0 $0x100000, s2;
	[bflag:$0x2] =	sbarrier.arrive $0xFFFF  }
0x5f: {  	[sflag:s0] =	ssyncadd.tile.s32 @!p0 $0x1;
	_ =	shalt  }
.Lfunc_end2:
_tile_overlayer_lowered:
.L_overlay_start_2:
0x60: {  	(tag) =	ssettag $0x2  }
0x61: {  	s0 =	rddreg [dreg:$0x0];
	s2 =	stileid.u32  }
0x62: {  	s1 =	rddreg [dreg:$0x1];
	p0 =	sne.s32 s2, $0x0  }
0x63: {  	s3 =	rddreg [dreg:$0x2];
	[bflag:$0x3] =	sbarrier.arrive $0xFFFF;
	s2 =	simm.s32 @!p0 $0x1C01  }
0x64: {  	[timem:s3], [sflag:s2] =	dma.local @!p0 [hbm:s0], s1  }
0x65: {  	s0 =	simm.s32 @!p0 $0x1  }
0x66: {  	_ =	swait.ge @!p0 [sflag:s0], s1  }
0x67: {  	s1 =	ssub.s32 @!p0 $0x0, s1;
	[sflag:s0] =	ssyncset.done @!p0 $0x0  }
0x68: {  	[sflag:s0] =	ssyncadd.s32 @!p0 s1  }
0x69: {  	[bflag:$0x3] =	sbarrier.arrive $0xFFFF  }
0x6a: {  	_ =	shalt  }

// kernel: gather_offload_async_start
scs
__scs_entry_jumppad:
0x0: {  	(pc) =	sbr.rel $0x88, $3  }
0x1: {  	(tag) =	ssettag $0x0;
	lr =	simm.s32 $0x1  }
0x2: {  	[smem:$0x3F9A] =	sst lr;
	_ =	strace $0xD0000000  }
0x3: {  	_ = 	snop  }
0x4: {  	_ = 	snop  }
0x5: {  	_ = 	snop  }
0x6: {  	_ = 	snop  }
0x7: {  	_ = 	snop  }
__scs_overlays_trampoline_lowered:
0x8: {  	[smem:$0x3FA9] =	sst s0  }
0x9: {  	[smem:$0x3FAA] =	sst s1  }
0xa: {  	[smem:$0x3FAB] =	sst s2  }
0xb: {  	[smem:$0x3FAC] =	sst s3  }
0xc: {  	[smem:$0x3FAD] =	sst s4  }
0xd: {  	[smem:$0x3FAE] =	sst s5  }
0xe: {  	[smem:$0x3FAF] =	sst s6  }
0xf: {  	[smem:$0x3FB0] =	sst s7  }
0x10: {  	[smem:$0x3FB1] =	sst s8  }
0x11: {  	[smem:$0x3FB2] =	sst s9;
	s0 =	simm.s32 @!p0 $0x0  }
0x12: {  	s1 =	sld [smem:$0x3F98];
	s0 =	simm.s32 @p0 $0x1  }
0x13: {  	[smem:$0x3FB3] =	sst s0;
	s0 =	simm.s32 @!p1 $0x0  }
0x14: {  	s2 =	sld [smem:$0x3F97];
	s0 =	simm.s32 @p1 $0x1  }
0x15: {  	[smem:$0x3FB4] =	sst s0;
	s0 =	simm.s32 @!p2 $0x0  }
0x16: {  	s3 =	sld [smem:$0x3FDB];
	s0 =	simm.s32 @p2 $0x1  }
0x17: {  	s4 =	simm.s32 $0x1BF5;
	[smem:$0x3FB6] =	sst s0  }
0x18: {  	s0 =	sld [smem:$0x3F99];
	_ =	swait.ge [sflag:s4], $0x0  }
0x19: {  	s7 =	sld [smem:$0x3F9A]  }
0x1a: {  	s8 =	sadd.s32 $0xFFFFE003, lr  }
0x1b: {  	s9 =	sadd.s32 $0xFFFFFEF7, lr;
	s5 =	simm.s32 $0xFFFFFFFF;
	p2 =	slt.u32 s8, $0xFFFFF086  }
0x1c: {  	p1 =	slt.u32 s9, $0xF7A;
	s5 =	simm.s32 @!p2 $0x0  }
0x1d: {  	s5 =	simm.s32 @p1 $0x1;
	p0 =	seq.s32 s7, s2  }
0x1e: {  	s7 =	smul.u32 @!p0 $0xF7A, s2;
	p2 =	seq.s32 @!p0 s5, $0x0  }
0x1f: {  	s9 =	smul.u32 $0xF7A, s1;
	s8 =	simm.s32 @!p0 $0x1BF5;
	p2 =	por !p2, p0  }
0x20: {  	[sflag:s8] =	ssyncset.s32 @!p0 $0xFFFFF086;
	s6 =	sadd.s32 @!p0 s3, s7;
	s7 =	simm.s32 @!p0 $0x108  }
0x21: {  	s3 =	sadd.s32 s3, s9;
	s6 =	sadd.s32 @!p0 $0x88, s6;
	s7 =	simm.s32 @p2 $0x1082  }
0x22: {  	[simem:s7], [sflag:s8] =	dma.local @!p0 [hbm:s6], $0xF7A  }
0x23: {  	s9 =	sor.u32 $0xD0000000, s2;
	s6 =	simm.s32 $0x108;
	_ =	swait.ge @!p0 [sflag:s8], $0x0  }
0x24: {  	s3 =	sadd.s32 $0x88, s3;
	s6 =	simm.s32 @!p1 $0x1082;
	[sflag:s4] =	ssyncset.s32 $0xFFFFF086  }
0x25: {  	[simem:s6], [sflag:s4] =	dma.local [hbm:s3], $0xF7A  }
0x26: {  	[smem:$0x3F9A] =	sst s1;
	(tag) =	ssettag s2;
	_ =	strace s9  }
0x27: {  	s1 =	sld [smem:$0x3FAA]  }
0x28: {  	s2 =	sld [smem:$0x3FAB]  }
0x29: {  	s4 =	sld [smem:$0x3FAD]  }
0x2a: {  	p0 =	seq.s32 s5, $0x0;
	s5 =	sld [smem:$0x3FAE]  }
0x2b: {  	s6 =	sld [smem:$0x3FAF]  }
0x2c: {  	s7 =	sld [smem:$0x3FB0]  }
0x2d: {  	s3 =	simm.s32 $0x108;
	s8 =	sld [smem:$0x3FB1]  }
0x2e: {  	s3 =	simm.s32 @!p0 $0x1082;
	s9 =	sld [smem:$0x3FB2]  }
0x2f: {  	lr =	sadd.s32 s0, s3;
	s0 =	sld [smem:$0x3FA9]  }
0x30: {  	s3 =	sld [smem:$0x3FAC]  }
0x31: {  	[smem:$0x3FB5] =	sst s10  }
0x32: {  	s10 =	sld [smem:$0x3FB3];
	_ =	sdelay $0x3  }
0x33: {  	p0 =	seq.s32 s10, $0x1;
	s10 =	sld [smem:$0x3FB5];
	_ =	sdelay $0x3  }
0x34: {  	[smem:$0x3FB5] =	sst s10  }
0x35: {  	s10 =	sld [smem:$0x3FB4];
	_ =	sdelay $0x3  }
0x36: {  	p1 =	seq.s32 s10, $0x1;
	s10 =	sld [smem:$0x3FB5];
	_ =	sdelay $0x3  }
0x37: {  	[smem:$0x3FB5] =	sst s10  }
0x38: {  	s10 =	sld [smem:$0x3FB6]  }
0x39: {  	_ = 	snop;
	(pc) =	sbr.ind lr, $3  }
0x3a: {  	_ = 	snop  }
0x3b: {  	_ = 	snop  }
0x3c: {  	p2 =	seq.s32 s10, $0x1;
	s10 =	sld [smem:$0x3FB5]  }
0x3d: {  	_ =	shalt  }
0x3e: {  	_ =	shalt  }
0x3f: {  	_ =	shalt  }
0x40: {  	_ =	shalt  }
0x41: {  	_ =	shalt  }
0x42: {  	_ =	shalt  }
0x43: {  	_ =	shalt  }
0x44: {  	_ =	shalt  }
0x45: {  	_ =	shalt  }
0x46: {  	_ =	shalt  }
0x47: {  	_ =	shalt  }
0x48: {  	_ =	shalt  }
0x49: {  	_ =	shalt  }
0x4a: {  	_ =	shalt  }
0x4b: {  	_ =	shalt  }
0x4c: {  	_ =	shalt  }
0x4d: {  	_ =	shalt  }
0x4e: {  	_ =	shalt  }
0x4f: {  	_ =	shalt  }
0x50: {  	_ =	shalt  }
0x51: {  	_ =	shalt  }
0x52: {  	_ =	shalt  }
0x53: {  	_ =	shalt  }
0x54: {  	_ =	shalt  }
0x55: {  	_ =	shalt  }
0x56: {  	_ =	shalt  }
0x57: {  	_ =	shalt  }
0x58: {  	_ =	shalt  }
0x59: {  	_ =	shalt  }
0x5a: {  	_ =	shalt  }
0x5b: {  	_ =	shalt  }
0x5c: {  	_ =	shalt  }
0x5d: {  	_ =	shalt  }
0x5e: {  	_ =	shalt  }
0x5f: {  	_ =	shalt  }
0x60: {  	_ =	shalt  }
0x61: {  	_ =	shalt  }
0x62: {  	_ =	shalt  }
0x63: {  	_ =	shalt  }
0x64: {  	_ =	shalt  }
0x65: {  	_ =	shalt  }
0x66: {  	_ =	shalt  }
0x67: {  	_ =	shalt  }
0x68: {  	_ =	shalt  }
0x69: {  	_ =	shalt  }
0x6a: {  	_ =	shalt  }
0x6b: {  	_ =	shalt  }
0x6c: {  	_ =	shalt  }
0x6d: {  	_ =	shalt  }
0x6e: {  	_ =	shalt  }
0x6f: {  	_ =	shalt  }
0x70: {  	_ =	shalt  }
0x71: {  	_ =	shalt  }
0x72: {  	_ =	shalt  }
0x73: {  	_ =	shalt  }
0x74: {  	_ =	shalt  }
0x75: {  	_ =	shalt  }
0x76: {  	_ =	shalt  }
0x77: {  	_ =	shalt  }
0x78: {  	_ =	shalt  }
0x79: {  	_ =	shalt  }
0x7a: {  	_ =	shalt  }
0x7b: {  	_ =	shalt  }
0x7c: {  	_ =	shalt  }
0x7d: {  	_ =	shalt  }
0x7e: {  	_ =	shalt  }
0x7f: {  	_ =	shalt  }
0x80: {  	_ =	shalt  }
0x81: {  	_ =	shalt  }
0x82: {  	_ =	shalt  }
0x83: {  	_ =	shalt  }
0x84: {  	_ =	shalt  }
0x85: {  	_ =	shalt  }
0x86: {  	_ =	shalt  }
0x87: {  	_ =	shalt  }
.Lfunc_end0:
.L_simem_size_0:
called_computation_lowered:
.L_overlay_start_0:
0x88: {  	s0 =	sld [smem:$0x3FD9]  }
0x89: {  	s1 =	sld [smem:$0x3FFE];
	_ =	sdelay $0x3  }
0x8a: {  	s0 =	sadd.s32 s1, s0  }
0x8b: {  	[smem:$0x3FC1] =	sst s0  }
0x8c: {  	_ = 	snop  }
0x8d: {  	(tm) =	ssettm $0x1  }
0x8e: {  	s15 =	sld [smem:$0x3FFB];
	_ =	sdelay $0x3  }
0x8f: {  	_ =	strace s15  }
0x90: {  	s0 =	sld [smem:$0x3FFC];
	_ =	sdelay $0x3  }
0x91: {  	_ =	strace s0  }
0x92: {  	s0 =	sld [smem:$0x3FFD];
	_ =	sdelay $0x3  }
0x93: {  	_ =	strace s0  }
0x94: {  	_ =	strace $0x8FFFFFFF  }
0x95: {  	s16 =	sld [smem:$0x3FDB];
	_ =	sdelay $0x1  }
0x96: {  	s17 =	simm.s32 $_scs_section_size  }
0x97: {  	s2 =	simm.s32 $_size__tile_overlayer_lowered;
	s3 =	simm.s32 $_tile_overlayer_lowered  }
0x98: {  	s20 =	simm.s32 $0x1BFF;
	s19 =	sshll.u32 s3, $0x1;
	s0 =	sadd.s32 s17, s16  }
0x99: {  	s4 =	simm.s32 $0x0;
	s18 =	sshll.u32 s2, $0x1;
	s2 =	sadd.s32 s19, s0  }
0x9a: {  	[timem:s4], [sflag:s20] =	dma.local [hbm:s2], s18  }
0x9b: {  	_ =	swait.ge [sflag:s20], s18  }
0x9c: {  	s1 =	ssub.s32 $0x0, s18;
	[sflag:s20] =	ssyncset.done $0x0  }
0x9d: {  	[sflag:s20] =	ssyncadd.s32 s1;
	_ =	sdelay $0x1  }
0x9e: {  	s21 =	simm.s32 $0x1B8B  }
0x9f: {  	_ =	swait.ge [sflag:s21], $0x1  }
0xa0: {  	[sflag:s21] =	ssyncset.done $0x0  }
0xa1: {  	s23 =	simm.s32 $0x1B8E;
	s22 =	sld [smem:$0x3FFE];
	[sflag:s21] =	ssyncadd.s32 $0xFFFFFFFF  }
0xa2: {  	s24 =	simm.s32 $execute0_lowered;
	[smem:$0x3FD2] =	sst s23  }
0xa3: {  	s2 =	sshll.u32 s24, $0x1;
	_ =	strace $0x80000049;
	[dreg:$0x1] =	wrdreg $0xFFFFFFFF  }
0xa4: {  	s25 =	simm.s32 $_size_execute0_lowered;
	s0 =	sadd.s32 s0, s2;
	[dreg:$0x0] =	wrdreg $0x0  }
0xa5: {  	s2 =	sshll.u32 s25, $0x1;
	[dreg:$0x2] =	wrdreg s0  }
0xa6: {  	[dreg:$0x3] =	wrdreg s2  }
0xa7: {  	[dreg:$0x4] =	wrdreg $0xC0  }
0xa8: {  	_ =	task [dreg:s4], $0x5FFFF  }
0xa9: {  	[dreg:$0x1] =	wrdreg $0xFFFFFFFF  }
0xaa: {  	[dreg:$0x0] =	wrdreg $0x60  }
0xab: {  	[dreg:$0x2] =	wrdreg s22  }
0xac: {  	[dreg:$0x3] =	wrdreg $0x9  }
0xad: {  	_ =	task.clear_ibuf [dreg:s4], $0x4FFFF;
	_ =	strace $0x90000049  }
0xae: {  	s26 =	simm.s32 $0x9;
	_ =	strace $0x8000004B  }
0xaf: {  	_ =	swait.ge [sflag:s26], $0x1  }
0xb0: {  	[sflag:s26] =	ssyncadd.s32 $0xFFFFFFFF  }
0xb1: {  	_ =	strace $0x9000004B  }
0xb2: {  	_ =	sfence  }
0xb3: {  	s28 =	sld [smem:$0x0];
	_ =	sdelay $0x1  }
0xb4: {  	s29 =	srdreg.scid  }
0xb5: {  	s30 =	sshll.u32 s29, $0xD;
	s31 =	sshrl.u32 s29, $0x2  }
0xb6: {  	s1 =	sand.u32 $0x1, s29;
	s2 =	sand.u32 $0x4000, s30;
	s0 =	sadd.s32 s31, s28  }
0xb7: {  	s1 =	sor.u32 s2, s1;
	s0 =	sshll.u32 s0, $0x11  }
0xb8: {  	s0 =	sor.u32 s0, s1  }
0xb9: {  	s0 =	sadd.s32 $0x8F2B, s0  }
0xba: {  	[sflag:s0] =	ssyncadd.remote.s32 $0x1  }
0xbb: {  	_ =	sfence.sel $0xFFFF  }
0xbc: {  	[dreg:$0x0] =	wrdreg $0xFFFFFFFF;
	(pc) =	sbr.abs _section_cstart, $3  }
0xbd: {  	[dreg:$0x1] =	wrdreg $0xFFFFFFFF  }
0xbe: {  	_ =	task.clear_ibuf [dreg:s4], $0x2FFFF;
	_ =	strace $0x9FFFFFFF  }
0xbf: {  	(tm) =	ssettm $0x7FFFFFFF  }
tec
execute0_lowered:
.L_overlay_start_1:
0x0: {  	(tag) =	ssettag $0x1  }
0x1: {  	s0 =	stileid.u32  }
0x2: {  	s1 =	smin.u32 s0, $0x9  }
0x3: {  	s1 =	sadd.s32 s0, s1  }
0x4: {  	s2 =	simm.s32 $0x320;
	p0 =	slt.u32 s0, $0x9;
	s1 =	smul.u32 $0x190, s1  }
0x5: {  	s2 =	simm.s32 @!p0 $0x190  }
0x6: {  	s2 =	sadd.s32 s2, s1  }
0x7: {  	s3 =	smin.u32 s2, $0x2710  }
0x8: {  	s7 =	ssub.s32 s3, s1  }
0x9: {  	p0 =	sgt.s32 s7, $0x0  }
0xa: {  	s7 =	simm.s32 @!p0 $0x0  }
0xb: {  	s31 =	sand.u32 $0xFFF0, s7  }
0xc: {  	s2 =	sshrl.u32 s31, $0x4  }
0xd: {  	s2 =	smul.u32 $0xA3E, s2  }
0xe: {  	s9 =	rddreg [dreg:$0x0];
	s6 =	simm.s32 $0x1;
	s11 =	simm.s32 $0x3  }
0xf: {  	s13 =	simm.s32 $0x0;
	s12 =	simm.s32 $0x0;
	s8 =	sshrl.u32 s2, $0x10  }
0x10: {  	s4 =	sadd.s32 $0x29000, s9;
	s5 =	sadd.s32 $0x1800, s9;
	s10 =	smul.u32 $0x190, s8  }
.Ltmp0:
0x11: {  	s9 =	sadd.s32 $0x50200, s9;
	s2 =	rddreg [dreg:$0x1];
	(pc) =	sbr.rel .LBB2_1-.Ltmp0, $4  }
0x12: {  	_ =	strace $0x8000004A;
	p0 =	sne.s32 s7, s10;
	s10 =	simm.s32 $0x1  }
0x13: {  	[sflag:s6] =	ssyncpa.u1 $0x0;
	s7 =	simm.s32 $0x2;
	s10 =	simm.s32 @!p0 $0x0  }
0x14: {  	[sflag:s7] =	ssyncpa.u1 $0x0;
	p0 =	por $0x0, $0x0;
	s8 =	sadd.s32 s8, s10  }
0x15: {  	vm0 =	vmmov $0xff;
	vm1 =	vcmask $0x3F20;
	[sflag:s11] =	ssyncpa.u1 $0x0;
	s11 =	smov.u32 s1;
	s10 =	sadd.s32 $0x1, s8  }
.LBB2_6:
0x16: {  	[hbm:s17] =	stream.linear.scatter [tilespmem:s14], [sflag:$0x3], $0x400, $0x38;
	[tilespmem:$0x19320] =	vst v63  }
.LBB2_7:
0x17: {  	s13 =	sadd.s32 $0x190, s11  }
0x18: {  	s15 =	smov.u32 s1;
	p2 =	slt.s32 s13, s3  }
0x19: {  	s15 =	smov.u32 @p2 s13;
	p2 =	sne.s32 s12, s10  }
.Ltmp1:
0x1a: {  	p1 =	slt.u32 s12, $0x2;
	(pc) =	sbr.rel @!p2 .LBB2_8-.Ltmp1, $4  }
0x1b: {  	s14 =	simm.s32 @!p1 $0x3  }
0x1c: {  	s16 =	sadd.s32 $0x1, s12;
	_ =	swait.ge @!p1 [sflag:s14], $0xC800  }
0x1d: {  	p0 =	por !p0, !p0;
	s13 =	smov.u32 s11;
	[sflag:s14] =	ssyncset.done @!p1 $0x0  }
0x1e: {  	s12 =	smov.u32 s16;
	s11 =	smov.u32 s15;
	[sflag:s14] =	ssyncadd.s32 @!p1 $0xFFFF3800  }
.LBB2_1:
0x1f: {  	p1 =	sge.u32 s12, s8  }
0x20: {  	s14 =	sxor.u32 @!p1 $0xFFFFFFFF, s12  }
0x21: {  	s14 =	sand.u32 @!p1 $0x1, s14  }
0x22: {  	s14 =	smul.u32 @!p1 $0x640, s14  }
0x23: {  	s31 =	sadd.s32 $0xFFFFFFFF, s12;
	s15 =	sshrl.u32 @!p1 s11, $0x3  }
0x24: {  	s16 =	sand.u32 @!p1 $0x7, s11;
	s15 =	sadd.s32 @!p1 s5, s15;
	s14 =	sshrl.u32 @!p1 s14, $0x2  }
0x25: {  	[tilespmem:s14], [sflag:$0x2] =	stream.linear.gather @!p1 [hbm4b:s15+s16], $0x190, $0x38;
	[tilespmem:$0x19320] =	vst v63  }
0x26: {  	p1 =	sge.u32 s31, s8  }
.Ltmp2:
0x27: {  	_ = 	snop;
	(pc) =	sbr.rel @p1 .LBB2_7-.Ltmp2, $1  }
0x28: {  	_ =	sdelay $0x3  }
0x29: {  	s14 =	simm.s32 $0x1  }
0x2a: {  	s14 =	simm.s32 @!p0 $0x0  }
0x2b: {  	s15 =	smul.u32 $0x640, s14  }
0x2c: {  	_ =	swait.ge [sflag:s7], $0x190  }
0x2d: {  	[sflag:s7] =	ssyncset.done $0x0;
	s16 =	sshrl.u32 s15, $0x2  }
0x2e: {  	[sflag:s7] =	ssyncadd.s32 $0xFFFFFE70;
	s15 =	sadd.s32 $0x0, s16  }
0x2f: {  	v0 =	vld.msk [tilespmem:s15+$0x0 ss:$0x1], $0xffff;
	_ =	sdelay $0x4  }
0x30: {  	vm2 =	vgt.s32 v0, $0x0  }
0x31: {  	v0 =	vnsel vm2, $0x0, v0  }
0x32: {  	v0 =	vmin.u32 v0, $0x270F  }
0x33: {  	v0 =	vshll.u32 v0, $0x4  }
0x34: {  	s14 =	smul.u32 $0x32000, s14;
	_ =	sdelay $0x1  }
0x35: {  	s14 =	sshrl.u32 s14, $0x2  }
0x36: {  	s14 =	sor.u32 $0x320, s14  }
0x37: {  	[tilespmem:s14], [sflag:$0x1] =	stream.indirect_vreg.gather [hbm:s4], $0x80, v0, vm0, $0x38;
	[tilespmem:$0x19320] =	vst v63  }
0x38: {  	s17 =	sadd.s32 $0x10, s16;
	s15 =	sadd.s32 $0x400, s14  }
0x39: {  	[tilespmem:s15], [sflag:$0x1] =	stream.indirect_vreg.gather [hbm:s4], $0x80, v0, vm1, $0x38;
	[tilespmem:$0x19320] =	vst v63  }
0x3a: {  	s18 =	simm.s32 $0x80;
	v0 =	vld.msk [tilespmem:s17+$0x0 ss:$0x1], $0xffff;
	s17 =	smov.u32 s14  }
.LBB2_3:
0x3b: {  	p1 =	sne.s32 s18, $0x600;
	_ =	sdelay $0x4  }
0x3c: {  	vm2 =	vgt.s32 v0, $0x0  }
0x3d: {  	v0 =	vnsel vm2, $0x0, v0  }
0x3e: {  	v0 =	vmin.u32 v0, $0x270F  }
0x3f: {  	v0 =	vshll.u32 v0, $0x4;
	_ =	sdelay $0x3  }
.Ltmp3:
0x40: {  	s19 =	sshra.s32 s18, $0x2;
	s17 =	sadd.s32 $0x800, s17;
	(pc) =	sbr.rel @p1 .LBB2_3-.Ltmp3, $4  }
0x41: {  	[tilespmem:s17], [sflag:$0x1] =	stream.indirect_vreg.gather [hbm:s4], $0x80, v0, vm0, $0x38;
	[tilespmem:$0x19320] =	vst v63  }
0x42: {  	s19 =	sadd.s32 s19, s16;
	s20 =	sadd.s32 $0x400, s17  }
0x43: {  	[tilespmem:s20], [sflag:$0x1] =	stream.indirect_vreg.gather [hbm:s4], $0x80, v0, vm1, $0x38;
	[tilespmem:$0x19320] =	vst v63  }
0x44: {  	s18 =	sadd.s32 $0x40, s18;
	v0 =	vld.msk [tilespmem:s19+$0x0 ss:$0x1], $0xffff  }
0x45: {  	_ =	sdelay $0x3  }
0x46: {  	vm2 =	vgt.s32 v0, $0x0  }
0x47: {  	v0 =	vnsel vm2, $0x0, v0  }
0x48: {  	v0 =	vmin.u32 v0, $0x270F  }
0x49: {  	v0 =	vshll.u32 v0, $0x4;
	_ =	sdelay $0x3  }
0x4a: {  	s16 =	sadd.s32 $0x800, s17  }
0x4b: {  	[tilespmem:s16], [sflag:$0x1] =	stream.indirect_vreg.gather [hbm:s4], $0x80, v0, vm0, $0x38;
	[tilespmem:$0x19320] =	vst v63  }
0x4c: {  	s16 =	sadd.s32 $0x400, s16  }
0x4d: {  	[tilespmem:s16], [sflag:$0x1] =	stream.indirect_vreg.gather [hbm:s4], $0x80, v0, vm1, $0x38;
	[tilespmem:$0x19320] =	vst v63  }
0x4e: {  	s13 =	sshll.u32 s13, $0x4;
	_ =	swait.ge [sflag:s6], $0xC800  }
0x4f: {  	s13 =	sadd.s32 s13, s9;
	[sflag:s6] =	ssyncset.done $0x0  }
0x50: {  	s17 =	sadd.s32 $0x0, s13;
	s16 =	simm.s32 $0x80;
	[sflag:s6] =	ssyncadd.s32 $0xFFFF3800  }
.LBB2_5:
0x51: {  	[hbm:s17] =	stream.linear.scatter [tilespmem:s14], [sflag:$0x3], $0x400, $0x38;
	[tilespmem:$0x19320] =	vst v63  }
0x52: {  	s17 =	smov.u32 s16;
	s14 =	smov.u32 s15;
	p1 =	sne.s32 s16, $0x1880  }
.Ltmp4:
0x53: {  	s16 =	sadd.s32 $0x80, s16;
	(pc) =	sbr.rel @p1 .LBB2_5-.Ltmp4, $2  }
0x54: {  	_ =	sdelay $0x2  }
0x55: {  	s15 =	sadd.s32 $0x400, s15;
	s17 =	sadd.s32 s17, s13  }
.Ltmp5:
0x56: {  	_ = 	snop;
	(pc) =	sbr.rel .LBB2_6-.Ltmp5, $1  }
0x57: {  	_ =	sdelay $0x3  }
.LBB2_8:
0x58: {  	_ =	sfence.sel $0x180000  }
0x59: {  	s1 =	simm.s32 $0x2;
	[bflag:$0x0] =	sbarrier.arrive $0xFFFF  }
0x5a: {  	s30 =	simm.s32 $0x3;
	[sflag:s1] =	ssyncpa.u1 $0x1  }
0x5b: {  	s31 =	simm.s32 $0x1;
	[sflag:s30] =	ssyncpa.u1 $0x1  }
0x5c: {  	[sflag:s31] =	ssyncpa.u1 $0x1  }
0x5d: {  	p0 =	sne.s32 s0, $0x0;
	_ =	strace $0x9000004A  }
0x5e: {  	s0 =	sadd.s32 @!p0 $0x100000, s2;
	[bflag:$0x2] =	sbarrier.arrive $0xFFFF  }
0x5f: {  	[sflag:s0] =	ssyncadd.tile.s32 @!p0 $0x1;
	_ =	shalt  }
.Lfunc_end2:
_tile_overlayer_lowered:
.L_overlay_start_2:
0x60: {  	(tag) =	ssettag $0x2  }
0x61: {  	s0 =	rddreg [dreg:$0x0];
	s2 =	stileid.u32  }
0x62: {  	s1 =	rddreg [dreg:$0x1];
	p0 =	sne.s32 s2, $0x0  }
0x63: {  	s3 =	rddreg [dreg:$0x2];
	[bflag:$0x3] =	sbarrier.arrive $0xFFFF;
	s2 =	simm.s32 @!p0 $0x1C01  }
0x64: {  	[timem:s3], [sflag:s2] =	dma.local @!p0 [hbm:s0], s1  }
0x65: {  	s0 =	simm.s32 @!p0 $0x1  }
0x66: {  	_ =	swait.ge @!p0 [sflag:s0], s1  }
0x67: {  	s1 =	ssub.s32 @!p0 $0x0, s1;
	[sflag:s0] =	ssyncset.done @!p0 $0x0  }
0x68: {  	[sflag:s0] =	ssyncadd.s32 @!p0 s1  }
0x69: {  	[bflag:$0x3] =	sbarrier.arrive $0xFFFF  }
0x6a: {  	_ =	shalt  }

</sc_bundles>
